<compile_context>
chip_gen: v7x
topology: tpu7x:2x2x1
jax: 0.10.2.dev20260603
libtpu: 0.0.44.dev20260713+nightly
codegen_flags: <defaults>
</compile_context>

<pallas_src>
import functools

import jax
import jax.numpy as jnp
from jax import lax
from jax.experimental import pallas as pl
from jax.experimental.pallas import tpu as pltpu
from jax.experimental.pallas import tpu_sc as plsc

N_CTX = 8192
D_MODEL = 2048
BATCH = 4
NUM_WORKERS = 32
ROWS_PER_WORKER = N_CTX // NUM_WORKERS
CHUNK = 56
_CHUNKS = [(i * CHUNK, CHUNK) for i in range(4)] + [(4 * CHUNK, 32)]


@functools.partial(
    pl.kernel,
    mesh=plsc.VectorSubcoreMesh(core_axis_name="c", subcore_axis_name="s"),
    out_type=jax.ShapeDtypeStruct((BATCH, N_CTX, D_MODEL), jnp.float32),
    scratch_types=[
        pltpu.VMEM((CHUNK, D_MODEL), jnp.float32),
        pltpu.SemaphoreType.DMA,
        pltpu.SemaphoreType.DMA,
    ],
)
def _pos_broadcast(w_hbm, out_hbm, buf, rsem, wsem):
    wid = lax.axis_index("s") * 2 + lax.axis_index("c")
    base = wid * ROWS_PER_WORKER

    for off, n in _CHUNKS:
        r0 = base + off
        pltpu.async_copy(w_hbm.at[pl.ds(r0, n)], buf.at[pl.ds(0, n)], rsem).wait()
        copies = [
            pltpu.async_copy(
                buf.at[pl.ds(0, n)], out_hbm.at[b, pl.ds(r0, n)], wsem)
            for b in range(BATCH)
        ]
        for cp in copies:
            cp.wait()


def kernel(tokens, W_pos):
    del tokens
    return _pos_broadcast(W_pos)

# --- scband reference (transcript-rebuilt; emitter-appended) ---
"""Pipeline reference for scband-pos-embed-52218212385159 (READ-ONLY COPY).

The authoritative reference and input builder live on the scoring server;
editing this copy changes nothing except your own understanding.
"""

import jax, jax.numpy as jnp
import numpy as np

N_CTX = 8192
D_MODEL = 2048
INIT_RANGE = 0.02
BATCH = 4
SEQ = 8192

def setup_inputs(seed: int = 0) -> dict:
    key = jax.random.key(seed)
    k_tok, k_w = jax.random.split(key)
    tokens = jax.random.randint(k_tok, (BATCH, SEQ), 0, 50257, dtype=jnp.int64 if jax.config.jax_enable_x64 else jnp.int32)
    W_pos = jax.random.normal(k_w, (N_CTX, D_MODEL), dtype=jnp.float32) * INIT_RANGE
    return {"tokens": tokens, "W_pos": W_pos}

def reference(tokens, W_pos):
    batch, seq_len = tokens.shape
    # einops.repeat(W_pos[:seq_len], 'seq d -> batch seq d', batch=batch)
    pos = W_pos[:seq_len]
    return jnp.broadcast_to(pos[None, :, :], (batch, seq_len, pos.shape[-1]))

if __name__ == "__main__":
    import jax
    _d = setup_inputs()
    print(jax.jit(kernel)(*tuple(_d.values())))

</pallas_src>

<mosaic_0001>
#map = affine_map<(d0, d1) -> (0, 0)>
#map1 = affine_map<(d0, d1) -> (0, 0, 0)>
module attributes {stable_mosaic.version = 14 : i64} {
  func.func @_pos_broadcast(%arg0: i32, %arg1: i32, %arg2: memref<8192x2048xf32, #tpu.memory_space<hbm>>, %arg3: memref<4x8192x2048xf32, #tpu.memory_space<hbm>>, %arg4: memref<56x2048xf32, #tpu.memory_space<vmem>>, %arg5: memref<!tpu.dma_semaphore, #tpu.memory_space<semaphore_mem>>, %arg6: memref<!tpu.dma_semaphore, #tpu.memory_space<semaphore_mem>>) attributes {dimension_semantics = [#tpu.dimension_semantics<core_parallel>, #tpu.dimension_semantics<subcore_parallel>], iteration_bounds = array<i64: 2, 16>, scalar_prefetch = 0 : i64, scratch_operands = 3 : i64, tpu.core_type = #tpu.core_type<sc_vector_subcore>, window_params = [{transform_indices = #map}, {transform_indices = #map1}]} {
    %mul3A = arith.constant 2 : i32
    %mul3A_0 = arith.muli %arg1, %mul3A : i32
    %add3A = arith.addi %mul3A_0, %arg0 : i32
    %mul3A_1 = arith.constant 256 : i32
    %mul3A_2 = arith.muli %add3A, %mul3A_1 : i32
    %add3A_3 = arith.constant 0 : i32
    %add3A_4 = arith.addi %mul3A_2, %add3A_3 : i32
    %dma_start3A = arith.constant 0 : i32
    %dma_start3A_5 = arith.constant 0 : i32
    %dma_start3A_6 = tpu.memref_slice %arg4[%dma_start3A, %dma_start3A_5] : memref<56x2048xf32, #tpu.memory_space<vmem>> -> memref<56x2048xf32, #tpu.memory_space<vmem>>
    %dma_start3A_7 = arith.constant 0 : i32
    %dma_start3A_8 = tpu.memref_slice %arg2[%add3A_4, %dma_start3A_7] : memref<8192x2048xf32, #tpu.memory_space<hbm>> -> memref<56x2048xf32, #tpu.memory_space<hbm>>
    %dma_start3A_9 = arith.constant 0 : i32
    %dma_start3A_10 = arith.constant 0 : i32
    %dma_start3A_11 = tpu.memref_slice %arg4[%dma_start3A_9, %dma_start3A_10] : memref<56x2048xf32, #tpu.memory_space<vmem>> -> memref<56x2048xf32, #tpu.memory_space<vmem>>
    %dma_start3A_12 = arith.constant 0 : i32
    %dma_start3A_13 = tpu.memref_slice %arg2[%add3A_4, %dma_start3A_12] : memref<8192x2048xf32, #tpu.memory_space<hbm>> -> memref<56x2048xf32, #tpu.memory_space<hbm>>
    tpu.enqueue_dma source(%dma_start3A_13 : memref<56x2048xf32, #tpu.memory_space<hbm>>) target(%dma_start3A_11 : memref<56x2048xf32, #tpu.memory_space<vmem>>) target_semaphore(%arg5 : memref<!tpu.dma_semaphore, #tpu.memory_space<semaphore_mem>>)
    %dma_wait3A = arith.constant 0 : i32
    %dma_wait3A_14 = arith.constant 0 : i32
    %dma_wait3A_15 = tpu.memref_slice %arg4[%dma_wait3A, %dma_wait3A_14] : memref<56x2048xf32, #tpu.memory_space<vmem>> -> memref<56x2048xf32, #tpu.memory_space<vmem>>
    %dma_wait3A_16 = arith.constant 0 : i32
    %dma_wait3A_17 = tpu.memref_slice %arg2[%add3A_4, %dma_wait3A_16] : memref<8192x2048xf32, #tpu.memory_space<hbm>> -> memref<56x2048xf32, #tpu.memory_space<hbm>>
    %dma_wait3A_18 = arith.constant 0 : i32
    %dma_wait3A_19 = arith.constant 0 : i32
    %dma_wait3A_20 = tpu.memref_slice %arg4[%dma_wait3A_18, %dma_wait3A_19] : memref<56x2048xf32, #tpu.memory_space<vmem>> -> memref<56x2048xf32, #tpu.memory_space<vmem>>
    %dma_wait3A_21 = arith.constant 0 : i32
    %dma_wait3A_22 = tpu.memref_slice %arg2[%add3A_4, %dma_wait3A_21] : memref<8192x2048xf32, #tpu.memory_space<hbm>> -> memref<56x2048xf32, #tpu.memory_space<hbm>>
    tpu.wait_dma2 semaphore(%arg5 : memref<!tpu.dma_semaphore, #tpu.memory_space<semaphore_mem>>) src(%dma_wait3A_22 : memref<56x2048xf32, #tpu.memory_space<hbm>>) dst(%dma_wait3A_20 : memref<56x2048xf32, #tpu.memory_space<vmem>>)
    %dma_start3A_23 = arith.constant 0 : i32
    %dma_start3A_24 = arith.constant 0 : i32
    %dma_start3A_25 = arith.constant 0 : i32
    %dma_start3A_26 = tpu.memref_slice %arg4[%dma_start3A_24, %dma_start3A_25] : memref<56x2048xf32, #tpu.memory_space<vmem>> -> memref<56x2048xf32, #tpu.memory_space<vmem>>
    %dma_start3A_27 = arith.constant 0 : i32
    %dma_start3A_28 = tpu.memref_slice %arg3[%dma_start3A_23, %add3A_4, %dma_start3A_27] : memref<4x8192x2048xf32, #tpu.memory_space<hbm>> -> memref<1x56x2048xf32, #tpu.memory_space<hbm>>
    %dma_start3A_29 = tpu.memref_squeeze %dma_start3A_28 : memref<1x56x2048xf32, #tpu.memory_space<hbm>> -> memref<56x2048xf32, #tpu.memory_space<hbm>>
    %dma_start3A_30 = arith.constant 0 : i32
    %dma_start3A_31 = tpu.memref_slice %arg3[%dma_start3A_23, %add3A_4, %dma_start3A_30] : memref<4x8192x2048xf32, #tpu.memory_space<hbm>> -> memref<1x56x2048xf32, #tpu.memory_space<hbm>>
    %dma_start3A_32 = tpu.memref_squeeze %dma_start3A_31 : memref<1x56x2048xf32, #tpu.memory_space<hbm>> -> memref<56x2048xf32, #tpu.memory_space<hbm>>
    %dma_start3A_33 = arith.constant 0 : i32
    %dma_start3A_34 = arith.constant 0 : i32
    %dma_start3A_35 = tpu.memref_slice %arg4[%dma_start3A_33, %dma_start3A_34] : memref<56x2048xf32, #tpu.memory_space<vmem>> -> memref<56x2048xf32, #tpu.memory_space<vmem>>
    tpu.enqueue_dma source(%dma_start3A_35 : memref<56x2048xf32, #tpu.memory_space<vmem>>) target(%dma_start3A_32 : memref<56x2048xf32, #tpu.memory_space<hbm>>) target_semaphore(%arg6 : memref<!tpu.dma_semaphore, #tpu.memory_space<semaphore_mem>>)
    %dma_start3A_36 = arith.constant 1 : i32
    %dma_start3A_37 = arith.constant 0 : i32
    %dma_start3A_38 = arith.constant 0 : i32
    %dma_start3A_39 = tpu.memref_slice %arg4[%dma_start3A_37, %dma_start3A_38] : memref<56x2048xf32, #tpu.memory_space<vmem>> -> memref<56x2048xf32, #tpu.memory_space<vmem>>
    %dma_start3A_40 = arith.constant 0 : i32
    %dma_start3A_41 = tpu.memref_slice %arg3[%dma_start3A_36, %add3A_4, %dma_start3A_40] : memref<4x8192x2048xf32, #tpu.memory_space<hbm>> -> memref<1x56x2048xf32, #tpu.memory_space<hbm>>
    %dma_start3A_42 = tpu.memref_squeeze %dma_start3A_41 : memref<1x56x2048xf32, #tpu.memory_space<hbm>> -> memref<56x2048xf32, #tpu.memory_space<hbm>>
    %dma_start3A_43 = arith.constant 0 : i32
    %dma_start3A_44 = tpu.memref_slice %arg3[%dma_start3A_36, %add3A_4, %dma_start3A_43] : memref<4x8192x2048xf32, #tpu.memory_space<hbm>> -> memref<1x56x2048xf32, #tpu.memory_space<hbm>>
    %dma_start3A_45 = tpu.memref_squeeze %dma_start3A_44 : memref<1x56x2048xf32, #tpu.memory_space<hbm>> -> memref<56x2048xf32, #tpu.memory_space<hbm>>
    %dma_start3A_46 = arith.constant 0 : i32
    %dma_start3A_47 = arith.constant 0 : i32
    %dma_start3A_48 = tpu.memref_slice %arg4[%dma_start3A_46, %dma_start3A_47] : memref<56x2048xf32, #tpu.memory_space<vmem>> -> memref<56x2048xf32, #tpu.memory_space<vmem>>
    tpu.enqueue_dma source(%dma_start3A_48 : memref<56x2048xf32, #tpu.memory_space<vmem>>) target(%dma_start3A_45 : memref<56x2048xf32, #tpu.memory_space<hbm>>) target_semaphore(%arg6 : memref<!tpu.dma_semaphore, #tpu.memory_space<semaphore_mem>>)
    %dma_start3A_49 = arith.constant 2 : i32
    %dma_start3A_50 = arith.constant 0 : i32
    %dma_start3A_51 = arith.constant 0 : i32
    %dma_start3A_52 = tpu.memref_slice %arg4[%dma_start3A_50, %dma_start3A_51] : memref<56x2048xf32, #tpu.memory_space<vmem>> -> memref<56x2048xf32, #tpu.memory_space<vmem>>
    %dma_start3A_53 = arith.constant 0 : i32
    %dma_start3A_54 = tpu.memref_slice %arg3[%dma_start3A_49, %add3A_4, %dma_start3A_53] : memref<4x8192x2048xf32, #tpu.memory_space<hbm>> -> memref<1x56x2048xf32, #tpu.memory_space<hbm>>
    %dma_start3A_55 = tpu.memref_squeeze %dma_start3A_54 : memref<1x56x2048xf32, #tpu.memory_space<hbm>> -> memref<56x2048xf32, #tpu.memory_space<hbm>>
    %dma_start3A_56 = arith.constant 0 : i32
    %dma_start3A_57 = tpu.memref_slice %arg3[%dma_start3A_49, %add3A_4, %dma_start3A_56] : memref<4x8192x2048xf32, #tpu.memory_space<hbm>> -> memref<1x56x2048xf32, #tpu.memory_space<hbm>>
    %dma_start3A_58 = tpu.memref_squeeze %dma_start3A_57 : memref<1x56x2048xf32, #tpu.memory_space<hbm>> -> memref<56x2048xf32, #tpu.memory_space<hbm>>
    %dma_start3A_59 = arith.constant 0 : i32
    %dma_start3A_60 = arith.constant 0 : i32
    %dma_start3A_61 = tpu.memref_slice %arg4[%dma_start3A_59, %dma_start3A_60] : memref<56x2048xf32, #tpu.memory_space<vmem>> -> memref<56x2048xf32, #tpu.memory_space<vmem>>
    tpu.enqueue_dma source(%dma_start3A_61 : memref<56x2048xf32, #tpu.memory_space<vmem>>) target(%dma_start3A_58 : memref<56x2048xf32, #tpu.memory_space<hbm>>) target_semaphore(%arg6 : memref<!tpu.dma_semaphore, #tpu.memory_space<semaphore_mem>>)
    %dma_start3A_62 = arith.constant 3 : i32
    %dma_start3A_63 = arith.constant 0 : i32
    %dma_start3A_64 = arith.constant 0 : i32
    %dma_start3A_65 = tpu.memref_slice %arg4[%dma_start3A_63, %dma_start3A_64] : memref<56x2048xf32, #tpu.memory_space<vmem>> -> memref<56x2048xf32, #tpu.memory_space<vmem>>
    %dma_start3A_66 = arith.constant 0 : i32
    %dma_start3A_67 = tpu.memref_slice %arg3[%dma_start3A_62, %add3A_4, %dma_start3A_66] : memref<4x8192x2048xf32, #tpu.memory_space<hbm>> -> memref<1x56x2048xf32, #tpu.memory_space<hbm>>
    %dma_start3A_68 = tpu.memref_squeeze %dma_start3A_67 : memref<1x56x2048xf32, #tpu.memory_space<hbm>> -> memref<56x2048xf32, #tpu.memory_space<hbm>>
    %dma_start3A_69 = arith.constant 0 : i32
    %dma_start3A_70 = tpu.memref_slice %arg3[%dma_start3A_62, %add3A_4, %dma_start3A_69] : memref<4x8192x2048xf32, #tpu.memory_space<hbm>> -> memref<1x56x2048xf32, #tpu.memory_space<hbm>>
    %dma_start3A_71 = tpu.memref_squeeze %dma_start3A_70 : memref<1x56x2048xf32, #tpu.memory_space<hbm>> -> memref<56x2048xf32, #tpu.memory_space<hbm>>
    %dma_start3A_72 = arith.constant 0 : i32
    %dma_start3A_73 = arith.constant 0 : i32
    %dma_start3A_74 = tpu.memref_slice %arg4[%dma_start3A_72, %dma_start3A_73] : memref<56x2048xf32, #tpu.memory_space<vmem>> -> memref<56x2048xf32, #tpu.memory_space<vmem>>
    tpu.enqueue_dma source(%dma_start3A_74 : memref<56x2048xf32, #tpu.memory_space<vmem>>) target(%dma_start3A_71 : memref<56x2048xf32, #tpu.memory_space<hbm>>) target_semaphore(%arg6 : memref<!tpu.dma_semaphore, #tpu.memory_space<semaphore_mem>>)
    %dma_wait3A_75 = arith.constant 0 : i32
    %dma_wait3A_76 = arith.constant 0 : i32
    %dma_wait3A_77 = arith.constant 0 : i32
    %dma_wait3A_78 = tpu.memref_slice %arg4[%dma_wait3A_76, %dma_wait3A_77] : memref<56x2048xf32, #tpu.memory_space<vmem>> -> memref<56x2048xf32, #tpu.memory_space<vmem>>
    %dma_wait3A_79 = arith.constant 0 : i32
    %dma_wait3A_80 = tpu.memref_slice %arg3[%dma_wait3A_75, %add3A_4, %dma_wait3A_79] : memref<4x8192x2048xf32, #tpu.memory_space<hbm>> -> memref<1x56x2048xf32, #tpu.memory_space<hbm>>
    %dma_wait3A_81 = tpu.memref_squeeze %dma_wait3A_80 : memref<1x56x2048xf32, #tpu.memory_space<hbm>> -> memref<56x2048xf32, #tpu.memory_space<hbm>>
    %dma_wait3A_82 = arith.constant 0 : i32
    %dma_wait3A_83 = tpu.memref_slice %arg3[%dma_wait3A_75, %add3A_4, %dma_wait3A_82] : memref<4x8192x2048xf32, #tpu.memory_space<hbm>> -> memref<1x56x2048xf32, #tpu.memory_space<hbm>>
    %dma_wait3A_84 = tpu.memref_squeeze %dma_wait3A_83 : memref<1x56x2048xf32, #tpu.memory_space<hbm>> -> memref<56x2048xf32, #tpu.memory_space<hbm>>
    %dma_wait3A_85 = arith.constant 0 : i32
    %dma_wait3A_86 = arith.constant 0 : i32
    %dma_wait3A_87 = tpu.memref_slice %arg4[%dma_wait3A_85, %dma_wait3A_86] : memref<56x2048xf32, #tpu.memory_space<vmem>> -> memref<56x2048xf32, #tpu.memory_space<vmem>>
    tpu.wait_dma2 semaphore(%arg6 : memref<!tpu.dma_semaphore, #tpu.memory_space<semaphore_mem>>) src(%dma_wait3A_87 : memref<56x2048xf32, #tpu.memory_space<vmem>>) dst(%dma_wait3A_84 : memref<56x2048xf32, #tpu.memory_space<hbm>>)
    %dma_wait3A_88 = arith.constant 1 : i32
    %dma_wait3A_89 = arith.constant 0 : i32
    %dma_wait3A_90 = arith.constant 0 : i32
    %dma_wait3A_91 = tpu.memref_slice %arg4[%dma_wait3A_89, %dma_wait3A_90] : memref<56x2048xf32, #tpu.memory_space<vmem>> -> memref<56x2048xf32, #tpu.memory_space<vmem>>
    %dma_wait3A_92 = arith.constant 0 : i32
    %dma_wait3A_93 = tpu.memref_slice %arg3[%dma_wait3A_88, %add3A_4, %dma_wait3A_92] : memref<4x8192x2048xf32, #tpu.memory_space<hbm>> -> memref<1x56x2048xf32, #tpu.memory_space<hbm>>
    %dma_wait3A_94 = tpu.memref_squeeze %dma_wait3A_93 : memref<1x56x2048xf32, #tpu.memory_space<hbm>> -> memref<56x2048xf32, #tpu.memory_space<hbm>>
    %dma_wait3A_95 = arith.constant 0 : i32
    %dma_wait3A_96 = tpu.memref_slice %arg3[%dma_wait3A_88, %add3A_4, %dma_wait3A_95] : memref<4x8192x2048xf32, #tpu.memory_space<hbm>> -> memref<1x56x2048xf32, #tpu.memory_space<hbm>>
    %dma_wait3A_97 = tpu.memref_squeeze %dma_wait3A_96 : memref<1x56x2048xf32, #tpu.memory_space<hbm>> -> memref<56x2048xf32, #tpu.memory_space<hbm>>
    %dma_wait3A_98 = arith.constant 0 : i32
    %dma_wait3A_99 = arith.constant 0 : i32
    %dma_wait3A_100 = tpu.memref_slice %arg4[%dma_wait3A_98, %dma_wait3A_99] : memref<56x2048xf32, #tpu.memory_space<vmem>> -> memref<56x2048xf32, #tpu.memory_space<vmem>>
    tpu.wait_dma2 semaphore(%arg6 : memref<!tpu.dma_semaphore, #tpu.memory_space<semaphore_mem>>) src(%dma_wait3A_100 : memref<56x2048xf32, #tpu.memory_space<vmem>>) dst(%dma_wait3A_97 : memref<56x2048xf32, #tpu.memory_space<hbm>>)
    %dma_wait3A_101 = arith.constant 2 : i32
    %dma_wait3A_102 = arith.constant 0 : i32
    %dma_wait3A_103 = arith.constant 0 : i32
    %dma_wait3A_104 = tpu.memref_slice %arg4[%dma_wait3A_102, %dma_wait3A_103] : memref<56x2048xf32, #tpu.memory_space<vmem>> -> memref<56x2048xf32, #tpu.memory_space<vmem>>
    %dma_wait3A_105 = arith.constant 0 : i32
    %dma_wait3A_106 = tpu.memref_slice %arg3[%dma_wait3A_101, %add3A_4, %dma_wait3A_105] : memref<4x8192x2048xf32, #tpu.memory_space<hbm>> -> memref<1x56x2048xf32, #tpu.memory_space<hbm>>
    %dma_wait3A_107 = tpu.memref_squeeze %dma_wait3A_106 : memref<1x56x2048xf32, #tpu.memory_space<hbm>> -> memref<56x2048xf32, #tpu.memory_space<hbm>>
    %dma_wait3A_108 = arith.constant 0 : i32
    %dma_wait3A_109 = tpu.memref_slice %arg3[%dma_wait3A_101, %add3A_4, %dma_wait3A_108] : memref<4x8192x2048xf32, #tpu.memory_space<hbm>> -> memref<1x56x2048xf32, #tpu.memory_space<hbm>>
    %dma_wait3A_110 = tpu.memref_squeeze %dma_wait3A_109 : memref<1x56x2048xf32, #tpu.memory_space<hbm>> -> memref<56x2048xf32, #tpu.memory_space<hbm>>
    %dma_wait3A_111 = arith.constant 0 : i32
    %dma_wait3A_112 = arith.constant 0 : i32
    %dma_wait3A_113 = tpu.memref_slice %arg4[%dma_wait3A_111, %dma_wait3A_112] : memref<56x2048xf32, #tpu.memory_space<vmem>> -> memref<56x2048xf32, #tpu.memory_space<vmem>>
    tpu.wait_dma2 semaphore(%arg6 : memref<!tpu.dma_semaphore, #tpu.memory_space<semaphore_mem>>) src(%dma_wait3A_113 : memref<56x2048xf32, #tpu.memory_space<vmem>>) dst(%dma_wait3A_110 : memref<56x2048xf32, #tpu.memory_space<hbm>>)
    %dma_wait3A_114 = arith.constant 3 : i32
    %dma_wait3A_115 = arith.constant 0 : i32
    %dma_wait3A_116 = arith.constant 0 : i32
    %dma_wait3A_117 = tpu.memref_slice %arg4[%dma_wait3A_115, %dma_wait3A_116] : memref<56x2048xf32, #tpu.memory_space<vmem>> -> memref<56x2048xf32, #tpu.memory_space<vmem>>
    %dma_wait3A_118 = arith.constant 0 : i32
    %dma_wait3A_119 = tpu.memref_slice %arg3[%dma_wait3A_114, %add3A_4, %dma_wait3A_118] : memref<4x8192x2048xf32, #tpu.memory_space<hbm>> -> memref<1x56x2048xf32, #tpu.memory_space<hbm>>
    %dma_wait3A_120 = tpu.memref_squeeze %dma_wait3A_119 : memref<1x56x2048xf32, #tpu.memory_space<hbm>> -> memref<56x2048xf32, #tpu.memory_space<hbm>>
    %dma_wait3A_121 = arith.constant 0 : i32
    %dma_wait3A_122 = tpu.memref_slice %arg3[%dma_wait3A_114, %add3A_4, %dma_wait3A_121] : memref<4x8192x2048xf32, #tpu.memory_space<hbm>> -> memref<1x56x2048xf32, #tpu.memory_space<hbm>>
    %dma_wait3A_123 = tpu.memref_squeeze %dma_wait3A_122 : memref<1x56x2048xf32, #tpu.memory_space<hbm>> -> memref<56x2048xf32, #tpu.memory_space<hbm>>
    %dma_wait3A_124 = arith.constant 0 : i32
    %dma_wait3A_125 = arith.constant 0 : i32
    %dma_wait3A_126 = tpu.memref_slice %arg4[%dma_wait3A_124, %dma_wait3A_125] : memref<56x2048xf32, #tpu.memory_space<vmem>> -> memref<56x2048xf32, #tpu.memory_space<vmem>>
    tpu.wait_dma2 semaphore(%arg6 : memref<!tpu.dma_semaphore, #tpu.memory_space<semaphore_mem>>) src(%dma_wait3A_126 : memref<56x2048xf32, #tpu.memory_space<vmem>>) dst(%dma_wait3A_123 : memref<56x2048xf32, #tpu.memory_space<hbm>>)
    %add3A_127 = arith.constant 56 : i32
    %add3A_128 = arith.addi %mul3A_2, %add3A_127 : i32
    %dma_start3A_129 = arith.constant 0 : i32
    %dma_start3A_130 = arith.constant 0 : i32
    %dma_start3A_131 = tpu.memref_slice %arg4[%dma_start3A_129, %dma_start3A_130] : memref<56x2048xf32, #tpu.memory_space<vmem>> -> memref<56x2048xf32, #tpu.memory_space<vmem>>
    %dma_start3A_132 = arith.constant 0 : i32
    %dma_start3A_133 = tpu.memref_slice %arg2[%add3A_128, %dma_start3A_132] : memref<8192x2048xf32, #tpu.memory_space<hbm>> -> memref<56x2048xf32, #tpu.memory_space<hbm>>
    %dma_start3A_134 = arith.constant 0 : i32
    %dma_start3A_135 = arith.constant 0 : i32
    %dma_start3A_136 = tpu.memref_slice %arg4[%dma_start3A_134, %dma_start3A_135] : memref<56x2048xf32, #tpu.memory_space<vmem>> -> memref<56x2048xf32, #tpu.memory_space<vmem>>
    %dma_start3A_137 = arith.constant 0 : i32
    %dma_start3A_138 = tpu.memref_slice %arg2[%add3A_128, %dma_start3A_137] : memref<8192x2048xf32, #tpu.memory_space<hbm>> -> memref<56x2048xf32, #tpu.memory_space<hbm>>
    tpu.enqueue_dma source(%dma_start3A_138 : memref<56x2048xf32, #tpu.memory_space<hbm>>) target(%dma_start3A_136 : memref<56x2048xf32, #tpu.memory_space<vmem>>) target_semaphore(%arg5 : memref<!tpu.dma_semaphore, #tpu.memory_space<semaphore_mem>>)
    %dma_wait3A_139 = arith.constant 0 : i32
    %dma_wait3A_140 = arith.constant 0 : i32
    %dma_wait3A_141 = tpu.memref_slice %arg4[%dma_wait3A_139, %dma_wait3A_140] : memref<56x2048xf32, #tpu.memory_space<vmem>> -> memref<56x2048xf32, #tpu.memory_space<vmem>>
    %dma_wait3A_142 = arith.constant 0 : i32
    %dma_wait3A_143 = tpu.memref_slice %arg2[%add3A_128, %dma_wait3A_142] : memref<8192x2048xf32, #tpu.memory_space<hbm>> -> memref<56x2048xf32, #tpu.memory_space<hbm>>
    %dma_wait3A_144 = arith.constant 0 : i32
    %dma_wait3A_145 = arith.constant 0 : i32
    %dma_wait3A_146 = tpu.memref_slice %arg4[%dma_wait3A_144, %dma_wait3A_145] : memref<56x2048xf32, #tpu.memory_space<vmem>> -> memref<56x2048xf32, #tpu.memory_space<vmem>>
    %dma_wait3A_147 = arith.constant 0 : i32
    %dma_wait3A_148 = tpu.memref_slice %arg2[%add3A_128, %dma_wait3A_147] : memref<8192x2048xf32, #tpu.memory_space<hbm>> -> memref<56x2048xf32, #tpu.memory_space<hbm>>
    tpu.wait_dma2 semaphore(%arg5 : memref<!tpu.dma_semaphore, #tpu.memory_space<semaphore_mem>>) src(%dma_wait3A_148 : memref<56x2048xf32, #tpu.memory_space<hbm>>) dst(%dma_wait3A_146 : memref<56x2048xf32, #tpu.memory_space<vmem>>)
    %dma_start3A_149 = arith.constant 0 : i32
    %dma_start3A_150 = arith.constant 0 : i32
    %dma_start3A_151 = arith.constant 0 : i32
    %dma_start3A_152 = tpu.memref_slice %arg4[%dma_start3A_150, %dma_start3A_151] : memref<56x2048xf32, #tpu.memory_space<vmem>> -> memref<56x2048xf32, #tpu.memory_space<vmem>>
    %dma_start3A_153 = arith.constant 0 : i32
    %dma_start3A_154 = tpu.memref_slice %arg3[%dma_start3A_149, %add3A_128, %dma_start3A_153] : memref<4x8192x2048xf32, #tpu.memory_space<hbm>> -> memref<1x56x2048xf32, #tpu.memory_space<hbm>>
    %dma_start3A_155 = tpu.memref_squeeze %dma_start3A_154 : memref<1x56x2048xf32, #tpu.memory_space<hbm>> -> memref<56x2048xf32, #tpu.memory_space<hbm>>
    %dma_start3A_156 = arith.constant 0 : i32
    %dma_start3A_157 = tpu.memref_slice %arg3[%dma_start3A_149, %add3A_128, %dma_start3A_156] : memref<4x8192x2048xf32, #tpu.memory_space<hbm>> -> memref<1x56x2048xf32, #tpu.memory_space<hbm>>
    %dma_start3A_158 = tpu.memref_squeeze %dma_start3A_157 : memref<1x56x2048xf32, #tpu.memory_space<hbm>> -> memref<56x2048xf32, #tpu.memory_space<hbm>>
    %dma_start3A_159 = arith.constant 0 : i32
    %dma_start3A_160 = arith.constant 0 : i32
    %dma_start3A_161 = tpu.memref_slice %arg4[%dma_start3A_159, %dma_start3A_160] : memref<56x2048xf32, #tpu.memory_space<vmem>> -> memref<56x2048xf32, #tpu.memory_space<vmem>>
    tpu.enqueue_dma source(%dma_start3A_161 : memref<56x2048xf32, #tpu.memory_space<vmem>>) target(%dma_start3A_158 : memref<56x2048xf32, #tpu.memory_space<hbm>>) target_semaphore(%arg6 : memref<!tpu.dma_semaphore, #tpu.memory_space<semaphore_mem>>)
    %dma_start3A_162 = arith.constant 1 : i32
    %dma_start3A_163 = arith.constant 0 : i32
    %dma_start3A_164 = arith.constant 0 : i32
    %dma_start3A_165 = tpu.memref_slice %arg4[%dma_start3A_163, %dma_start3A_164] : memref<56x2048xf32, #tpu.memory_space<vmem>> -> memref<56x2048xf32, #tpu.memory_space<vmem>>
    %dma_start3A_166 = arith.constant 0 : i32
    %dma_start3A_167 = tpu.memref_slice %arg3[%dma_start3A_162, %add3A_128, %dma_start3A_166] : memref<4x8192x2048xf32, #tpu.memory_space<hbm>> -> memref<1x56x2048xf32, #tpu.memory_space<hbm>>
    %dma_start3A_168 = tpu.memref_squeeze %dma_start3A_167 : memref<1x56x2048xf32, #tpu.memory_space<hbm>> -> memref<56x2048xf32, #tpu.memory_space<hbm>>
    %dma_start3A_169 = arith.constant 0 : i32
    %dma_start3A_170 = tpu.memref_slice %arg3[%dma_start3A_162, %add3A_128, %dma_start3A_169] : memref<4x8192x2048xf32, #tpu.memory_space<hbm>> -> memref<1x56x2048xf32, #tpu.memory_space<hbm>>
    %dma_start3A_171 = tpu.memref_squeeze %dma_start3A_170 : memref<1x56x2048xf32, #tpu.memory_space<hbm>> -> memref<56x2048xf32, #tpu.memory_space<hbm>>
    %dma_start3A_172 = arith.constant 0 : i32
    %dma_start3A_173 = arith.constant 0 : i32
    %dma_start3A_174 = tpu.memref_slice %arg4[%dma_start3A_172, %dma_start3A_173] : memref<56x2048xf32, #tpu.memory_space<vmem>> -> memref<56x2048xf32, #tpu.memory_space<vmem>>
    tpu.enqueue_dma source(%dma_start3A_174 : memref<56x2048xf32, #tpu.memory_space<vmem>>) target(%dma_start3A_171 : memref<56x2048xf32, #tpu.memory_space<hbm>>) target_semaphore(%arg6 : memref<!tpu.dma_semaphore, #tpu.memory_space<semaphore_mem>>)
    %dma_start3A_175 = arith.constant 2 : i32
    %dma_start3A_176 = arith.constant 0 : i32
    %dma_start3A_177 = arith.constant 0 : i32
    %dma_start3A_178 = tpu.memref_slice %arg4[%dma_start3A_176, %dma_start3A_177] : memref<56x2048xf32, #tpu.memory_space<vmem>> -> memref<56x2048xf32, #tpu.memory_space<vmem>>
    %dma_start3A_179 = arith.constant 0 : i32
    %dma_start3A_180 = tpu.memref_slice %arg3[%dma_start3A_175, %add3A_128, %dma_start3A_179] : memref<4x8192x2048xf32, #tpu.memory_space<hbm>> -> memref<1x56x2048xf32, #tpu.memory_space<hbm>>
    %dma_start3A_181 = tpu.memref_squeeze %dma_start3A_180 : memref<1x56x2048xf32, #tpu.memory_space<hbm>> -> memref<56x2048xf32, #tpu.memory_space<hbm>>
    %dma_start3A_182 = arith.constant 0 : i32
    %dma_start3A_183 = tpu.memref_slice %arg3[%dma_start3A_175, %add3A_128, %dma_start3A_182] : memref<4x8192x2048xf32, #tpu.memory_space<hbm>> -> memref<1x56x2048xf32, #tpu.memory_space<hbm>>
    %dma_start3A_184 = tpu.memref_squeeze %dma_start3A_183 : memref<1x56x2048xf32, #tpu.memory_space<hbm>> -> memref<56x2048xf32, #tpu.memory_space<hbm>>
    %dma_start3A_185 = arith.constant 0 : i32
    %dma_start3A_186 = arith.constant 0 : i32
    %dma_start3A_187 = tpu.memref_slice %arg4[%dma_start3A_185, %dma_start3A_186] : memref<56x2048xf32, #tpu.memory_space<vmem>> -> memref<56x2048xf32, #tpu.memory_space<vmem>>
    tpu.enqueue_dma source(%dma_start3A_187 : memref<56x2048xf32, #tpu.memory_space<vmem>>) target(%dma_start3A_184 : memref<56x2048xf32, #tpu.memory_space<hbm>>) target_semaphore(%arg6 : memref<!tpu.dma_semaphore, #tpu.memory_space<semaphore_mem>>)
    %dma_start3A_188 = arith.constant 3 : i32
    %dma_start3A_189 = arith.constant 0 : i32
    %dma_start3A_190 = arith.constant 0 : i32
    %dma_start3A_191 = tpu.memref_slice %arg4[%dma_start3A_189, %dma_start3A_190] : memref<56x2048xf32, #tpu.memory_space<vmem>> -> memref<56x2048xf32, #tpu.memory_space<vmem>>
    %dma_start3A_192 = arith.constant 0 : i32
    %dma_start3A_193 = tpu.memref_slice %arg3[%dma_start3A_188, %add3A_128, %dma_start3A_192] : memref<4x8192x2048xf32, #tpu.memory_space<hbm>> -> memref<1x56x2048xf32, #tpu.memory_space<hbm>>
    %dma_start3A_194 = tpu.memref_squeeze %dma_start3A_193 : memref<1x56x2048xf32, #tpu.memory_space<hbm>> -> memref<56x2048xf32, #tpu.memory_space<hbm>>
    %dma_start3A_195 = arith.constant 0 : i32
    %dma_start3A_196 = tpu.memref_slice %arg3[%dma_start3A_188, %add3A_128, %dma_start3A_195] : memref<4x8192x2048xf32, #tpu.memory_space<hbm>> -> memref<1x56x2048xf32, #tpu.memory_space<hbm>>
    %dma_start3A_197 = tpu.memref_squeeze %dma_start3A_196 : memref<1x56x2048xf32, #tpu.memory_space<hbm>> -> memref<56x2048xf32, #tpu.memory_space<hbm>>
    %dma_start3A_198 = arith.constant 0 : i32
    %dma_start3A_199 = arith.constant 0 : i32
    %dma_start3A_200 = tpu.memref_slice %arg4[%dma_start3A_198, %dma_start3A_199] : memref<56x2048xf32, #tpu.memory_space<vmem>> -> memref<56x2048xf32, #tpu.memory_space<vmem>>
    tpu.enqueue_dma source(%dma_start3A_200 : memref<56x2048xf32, #tpu.memory_space<vmem>>) target(%dma_start3A_197 : memref<56x2048xf32, #tpu.memory_space<hbm>>) target_semaphore(%arg6 : memref<!tpu.dma_semaphore, #tpu.memory_space<semaphore_mem>>)
    %dma_wait3A_201 = arith.constant 0 : i32
    %dma_wait3A_202 = arith.constant 0 : i32
    %dma_wait3A_203 = arith.constant 0 : i32
    %dma_wait3A_204 = tpu.memref_slice %arg4[%dma_wait3A_202, %dma_wait3A_203] : memref<56x2048xf32, #tpu.memory_space<vmem>> -> memref<56x2048xf32, #tpu.memory_space<vmem>>
    %dma_wait3A_205 = arith.constant 0 : i32
    %dma_wait3A_206 = tpu.memref_slice %arg3[%dma_wait3A_201, %add3A_128, %dma_wait3A_205] : memref<4x8192x2048xf32, #tpu.memory_space<hbm>> -> memref<1x56x2048xf32, #tpu.memory_space<hbm>>
    %dma_wait3A_207 = tpu.memref_squeeze %dma_wait3A_206 : memref<1x56x2048xf32, #tpu.memory_space<hbm>> -> memref<56x2048xf32, #tpu.memory_space<hbm>>
    %dma_wait3A_208 = arith.constant 0 : i32
    %dma_wait3A_209 = tpu.memref_slice %arg3[%dma_wait3A_201, %add3A_128, %dma_wait3A_208] : memref<4x8192x2048xf32, #tpu.memory_space<hbm>> -> memref<1x56x2048xf32, #tpu.memory_space<hbm>>
    %dma_wait3A_210 = tpu.memref_squeeze %dma_wait3A_209 : memref<1x56x2048xf32, #tpu.memory_space<hbm>> -> memref<56x2048xf32, #tpu.memory_space<hbm>>
    %dma_wait3A_211 = arith.constant 0 : i32
    %dma_wait3A_212 = arith.constant 0 : i32
    %dma_wait3A_213 = tpu.memref_slice %arg4[%dma_wait3A_211, %dma_wait3A_212] : memref<56x2048xf32, #tpu.memory_space<vmem>> -> memref<56x2048xf32, #tpu.memory_space<vmem>>
    tpu.wait_dma2 semaphore(%arg6 : memref<!tpu.dma_semaphore, #tpu.memory_space<semaphore_mem>>) src(%dma_wait3A_213 : memref<56x2048xf32, #tpu.memory_space<vmem>>) dst(%dma_wait3A_210 : memref<56x2048xf32, #tpu.memory_space<hbm>>)
    %dma_wait3A_214 = arith.constant 1 : i32
    %dma_wait3A_215 = arith.constant 0 : i32
    %dma_wait3A_216 = arith.constant 0 : i32
    %dma_wait3A_217 = tpu.memref_slice %arg4[%dma_wait3A_215, %dma_wait3A_216] : memref<56x2048xf32, #tpu.memory_space<vmem>> -> memref<56x2048xf32, #tpu.memory_space<vmem>>
    %dma_wait3A_218 = arith.constant 0 : i32
    %dma_wait3A_219 = tpu.memref_slice %arg3[%dma_wait3A_214, %add3A_128, %dma_wait3A_218] : memref<4x8192x2048xf32, #tpu.memory_space<hbm>> -> memref<1x56x2048xf32, #tpu.memory_space<hbm>>
    %dma_wait3A_220 = tpu.memref_squeeze %dma_wait3A_219 : memref<1x56x2048xf32, #tpu.memory_space<hbm>> -> memref<56x2048xf32, #tpu.memory_space<hbm>>
    %dma_wait3A_221 = arith.constant 0 : i32
    %dma_wait3A_222 = tpu.memref_slice %arg3[%dma_wait3A_214, %add3A_128, %dma_wait3A_221] : memref<4x8192x2048xf32, #tpu.memory_space<hbm>> -> memref<1x56x2048xf32, #tpu.memory_space<hbm>>
    %dma_wait3A_223 = tpu.memref_squeeze %dma_wait3A_222 : memref<1x56x2048xf32, #tpu.memory_space<hbm>> -> memref<56x2048xf32, #tpu.memory_space<hbm>>
    %dma_wait3A_224 = arith.constant 0 : i32
    %dma_wait3A_225 = arith.constant 0 : i32
    %dma_wait3A_226 = tpu.memref_slice %arg4[%dma_wait3A_224, %dma_wait3A_225] : memref<56x2048xf32, #tpu.memory_space<vmem>> -> memref<56x2048xf32, #tpu.memory_space<vmem>>
    tpu.wait_dma2 semaphore(%arg6 : memref<!tpu.dma_semaphore, #tpu.memory_space<semaphore_mem>>) src(%dma_wait3A_226 : memref<56x2048xf32, #tpu.memory_space<vmem>>) dst(%dma_wait3A_223 : memref<56x2048xf32, #tpu.memory_space<hbm>>)
    %dma_wait3A_227 = arith.constant 2 : i32
    %dma_wait3A_228 = arith.constant 0 : i32
    %dma_wait3A_229 = arith.constant 0 : i32
    %dma_wait3A_230 = tpu.memref_slice %arg4[%dma_wait3A_228, %dma_wait3A_229] : memref<56x2048xf32, #tpu.memory_space<vmem>> -> memref<56x2048xf32, #tpu.memory_space<vmem>>
    %dma_wait3A_231 = arith.constant 0 : i32
    %dma_wait3A_232 = tpu.memref_slice %arg3[%dma_wait3A_227, %add3A_128, %dma_wait3A_231] : memref<4x8192x2048xf32, #tpu.memory_space<hbm>> -> memref<1x56x2048xf32, #tpu.memory_space<hbm>>
    %dma_wait3A_233 = tpu.memref_squeeze %dma_wait3A_232 : memref<1x56x2048xf32, #tpu.memory_space<hbm>> -> memref<56x2048xf32, #tpu.memory_space<hbm>>
    %dma_wait3A_234 = arith.constant 0 : i32
    %dma_wait3A_235 = tpu.memref_slice %arg3[%dma_wait3A_227, %add3A_128, %dma_wait3A_234] : memref<4x8192x2048xf32, #tpu.memory_space<hbm>> -> memref<1x56x2048xf32, #tpu.memory_space<hbm>>
    %dma_wait3A_236 = tpu.memref_squeeze %dma_wait3A_235 : memref<1x56x2048xf32, #tpu.memory_space<hbm>> -> memref<56x2048xf32, #tpu.memory_space<hbm>>
    %dma_wait3A_237 = arith.constant 0 : i32
    %dma_wait3A_238 = arith.constant 0 : i32
    %dma_wait3A_239 = tpu.memref_slice %arg4[%dma_wait3A_237, %dma_wait3A_238] : memref<56x2048xf32, #tpu.memory_space<vmem>> -> memref<56x2048xf32, #tpu.memory_space<vmem>>
    tpu.wait_dma2 semaphore(%arg6 : memref<!tpu.dma_semaphore, #tpu.memory_space<semaphore_mem>>) src(%dma_wait3A_239 : memref<56x2048xf32, #tpu.memory_space<vmem>>) dst(%dma_wait3A_236 : memref<56x2048xf32, #tpu.memory_space<hbm>>)
    %dma_wait3A_240 = arith.constant 3 : i32
    %dma_wait3A_241 = arith.constant 0 : i32
    %dma_wait3A_242 = arith.constant 0 : i32
    %dma_wait3A_243 = tpu.memref_slice %arg4[%dma_wait3A_241, %dma_wait3A_242] : memref<56x2048xf32, #tpu.memory_space<vmem>> -> memref<56x2048xf32, #tpu.memory_space<vmem>>
    %dma_wait3A_244 = arith.constant 0 : i32
    %dma_wait3A_245 = tpu.memref_slice %arg3[%dma_wait3A_240, %add3A_128, %dma_wait3A_244] : memref<4x8192x2048xf32, #tpu.memory_space<hbm>> -> memref<1x56x2048xf32, #tpu.memory_space<hbm>>
    %dma_wait3A_246 = tpu.memref_squeeze %dma_wait3A_245 : memref<1x56x2048xf32, #tpu.memory_space<hbm>> -> memref<56x2048xf32, #tpu.memory_space<hbm>>
    %dma_wait3A_247 = arith.constant 0 : i32
    %dma_wait3A_248 = tpu.memref_slice %arg3[%dma_wait3A_240, %add3A_128, %dma_wait3A_247] : memref<4x8192x2048xf32, #tpu.memory_space<hbm>> -> memref<1x56x2048xf32, #tpu.memory_space<hbm>>
    %dma_wait3A_249 = tpu.memref_squeeze %dma_wait3A_248 : memref<1x56x2048xf32, #tpu.memory_space<hbm>> -> memref<56x2048xf32, #tpu.memory_space<hbm>>
    %dma_wait3A_250 = arith.constant 0 : i32
    %dma_wait3A_251 = arith.constant 0 : i32
    %dma_wait3A_252 = tpu.memref_slice %arg4[%dma_wait3A_250, %dma_wait3A_251] : memref<56x2048xf32, #tpu.memory_space<vmem>> -> memref<56x2048xf32, #tpu.memory_space<vmem>>
    tpu.wait_dma2 semaphore(%arg6 : memref<!tpu.dma_semaphore, #tpu.memory_space<semaphore_mem>>) src(%dma_wait3A_252 : memref<56x2048xf32, #tpu.memory_space<vmem>>) dst(%dma_wait3A_249 : memref<56x2048xf32, #tpu.memory_space<hbm>>)
    %add3A_253 = arith.constant 112 : i32
    %add3A_254 = arith.addi %mul3A_2, %add3A_253 : i32
    %dma_start3A_255 = arith.constant 0 : i32
    %dma_start3A_256 = arith.constant 0 : i32
    %dma_start3A_257 = tpu.memref_slice %arg4[%dma_start3A_255, %dma_start3A_256] : memref<56x2048xf32, #tpu.memory_space<vmem>> -> memref<56x2048xf32, #tpu.memory_space<vmem>>
    %dma_start3A_258 = arith.constant 0 : i32
    %dma_start3A_259 = tpu.memref_slice %arg2[%add3A_254, %dma_start3A_258] : memref<8192x2048xf32, #tpu.memory_space<hbm>> -> memref<56x2048xf32, #tpu.memory_space<hbm>>
    %dma_start3A_260 = arith.constant 0 : i32
    %dma_start3A_261 = arith.constant 0 : i32
    %dma_start3A_262 = tpu.memref_slice %arg4[%dma_start3A_260, %dma_start3A_261] : memref<56x2048xf32, #tpu.memory_space<vmem>> -> memref<56x2048xf32, #tpu.memory_space<vmem>>
    %dma_start3A_263 = arith.constant 0 : i32
    %dma_start3A_264 = tpu.memref_slice %arg2[%add3A_254, %dma_start3A_263] : memref<8192x2048xf32, #tpu.memory_space<hbm>> -> memref<56x2048xf32, #tpu.memory_space<hbm>>
    tpu.enqueue_dma source(%dma_start3A_264 : memref<56x2048xf32, #tpu.memory_space<hbm>>) target(%dma_start3A_262 : memref<56x2048xf32, #tpu.memory_space<vmem>>) target_semaphore(%arg5 : memref<!tpu.dma_semaphore, #tpu.memory_space<semaphore_mem>>)
    %dma_wait3A_265 = arith.constant 0 : i32
    %dma_wait3A_266 = arith.constant 0 : i32
    %dma_wait3A_267 = tpu.memref_slice %arg4[%dma_wait3A_265, %dma_wait3A_266] : memref<56x2048xf32, #tpu.memory_space<vmem>> -> memref<56x2048xf32, #tpu.memory_space<vmem>>
    %dma_wait3A_268 = arith.constant 0 : i32
    %dma_wait3A_269 = tpu.memref_slice %arg2[%add3A_254, %dma_wait3A_268] : memref<8192x2048xf32, #tpu.memory_space<hbm>> -> memref<56x2048xf32, #tpu.memory_space<hbm>>
    %dma_wait3A_270 = arith.constant 0 : i32
    %dma_wait3A_271 = arith.constant 0 : i32
    %dma_wait3A_272 = tpu.memref_slice %arg4[%dma_wait3A_270, %dma_wait3A_271] : memref<56x2048xf32, #tpu.memory_space<vmem>> -> memref<56x2048xf32, #tpu.memory_space<vmem>>
    %dma_wait3A_273 = arith.constant 0 : i32
    %dma_wait3A_274 = tpu.memref_slice %arg2[%add3A_254, %dma_wait3A_273] : memref<8192x2048xf32, #tpu.memory_space<hbm>> -> memref<56x2048xf32, #tpu.memory_space<hbm>>
    tpu.wait_dma2 semaphore(%arg5 : memref<!tpu.dma_semaphore, #tpu.memory_space<semaphore_mem>>) src(%dma_wait3A_274 : memref<56x2048xf32, #tpu.memory_space<hbm>>) dst(%dma_wait3A_272 : memref<56x2048xf32, #tpu.memory_space<vmem>>)
    %dma_start3A_275 = arith.constant 0 : i32
    %dma_start3A_276 = arith.constant 0 : i32
    %dma_start3A_277 = arith.constant 0 : i32
    %dma_start3A_278 = tpu.memref_slice %arg4[%dma_start3A_276, %dma_start3A_277] : memref<56x2048xf32, #tpu.memory_space<vmem>> -> memref<56x2048xf32, #tpu.memory_space<vmem>>
    %dma_start3A_279 = arith.constant 0 : i32
    %dma_start3A_280 = tpu.memref_slice %arg3[%dma_start3A_275, %add3A_254, %dma_start3A_279] : memref<4x8192x2048xf32, #tpu.memory_space<hbm>> -> memref<1x56x2048xf32, #tpu.memory_space<hbm>>
    %dma_start3A_281 = tpu.memref_squeeze %dma_start3A_280 : memref<1x56x2048xf32, #tpu.memory_space<hbm>> -> memref<56x2048xf32, #tpu.memory_space<hbm>>
    %dma_start3A_282 = arith.constant 0 : i32
    %dma_start3A_283 = tpu.memref_slice %arg3[%dma_start3A_275, %add3A_254, %dma_start3A_282] : memref<4x8192x2048xf32, #tpu.memory_space<hbm>> -> memref<1x56x2048xf32, #tpu.memory_space<hbm>>
    %dma_start3A_284 = tpu.memref_squeeze %dma_start3A_283 : memref<1x56x2048xf32, #tpu.memory_space<hbm>> -> memref<56x2048xf32, #tpu.memory_space<hbm>>
    %dma_start3A_285 = arith.constant 0 : i32
    %dma_start3A_286 = arith.constant 0 : i32
    %dma_start3A_287 = tpu.memref_slice %arg4[%dma_start3A_285, %dma_start3A_286] : memref<56x2048xf32, #tpu.memory_space<vmem>> -> memref<56x2048xf32, #tpu.memory_space<vmem>>
    tpu.enqueue_dma source(%dma_start3A_287 : memref<56x2048xf32, #tpu.memory_space<vmem>>) target(%dma_start3A_284 : memref<56x2048xf32, #tpu.memory_space<hbm>>) target_semaphore(%arg6 : memref<!tpu.dma_semaphore, #tpu.memory_space<semaphore_mem>>)
    %dma_start3A_288 = arith.constant 1 : i32
    %dma_start3A_289 = arith.constant 0 : i32
    %dma_start3A_290 = arith.constant 0 : i32
    %dma_start3A_291 = tpu.memref_slice %arg4[%dma_start3A_289, %dma_start3A_290] : memref<56x2048xf32, #tpu.memory_space<vmem>> -> memref<56x2048xf32, #tpu.memory_space<vmem>>
    %dma_start3A_292 = arith.constant 0 : i32
    %dma_start3A_293 = tpu.memref_slice %arg3[%dma_start3A_288, %add3A_254, %dma_start3A_292] : memref<4x8192x2048xf32, #tpu.memory_space<hbm>> -> memref<1x56x2048xf32, #tpu.memory_space<hbm>>
    %dma_start3A_294 = tpu.memref_squeeze %dma_start3A_293 : memref<1x56x2048xf32, #tpu.memory_space<hbm>> -> memref<56x2048xf32, #tpu.memory_space<hbm>>
    %dma_start3A_295 = arith.constant 0 : i32
    %dma_start3A_296 = tpu.memref_slice %arg3[%dma_start3A_288, %add3A_254, %dma_start3A_295] : memref<4x8192x2048xf32, #tpu.memory_space<hbm>> -> memref<1x56x2048xf32, #tpu.memory_space<hbm>>
    %dma_start3A_297 = tpu.memref_squeeze %dma_start3A_296 : memref<1x56x2048xf32, #tpu.memory_space<hbm>> -> memref<56x2048xf32, #tpu.memory_space<hbm>>
    %dma_start3A_298 = arith.constant 0 : i32
    %dma_start3A_299 = arith.constant 0 : i32
    %dma_start3A_300 = tpu.memref_slice %arg4[%dma_start3A_298, %dma_start3A_299] : memref<56x2048xf32, #tpu.memory_space<vmem>> -> memref<56x2048xf32, #tpu.memory_space<vmem>>
    tpu.enqueue_dma source(%dma_start3A_300 : memref<56x2048xf32, #tpu.memory_space<vmem>>) target(%dma_start3A_297 : memref<56x2048xf32, #tpu.memory_space<hbm>>) target_semaphore(%arg6 : memref<!tpu.dma_semaphore, #tpu.memory_space<semaphore_mem>>)
    %dma_start3A_301 = arith.constant 2 : i32
    %dma_start3A_302 = arith.constant 0 : i32
    %dma_start3A_303 = arith.constant 0 : i32
    %dma_start3A_304 = tpu.memref_slice %arg4[%dma_start3A_302, %dma_start3A_303] : memref<56x2048xf32, #tpu.memory_space<vmem>> -> memref<56x2048xf32, #tpu.memory_space<vmem>>
    %dma_start3A_305 = arith.constant 0 : i32
    %dma_start3A_306 = tpu.memref_slice %arg3[%dma_start3A_301, %add3A_254, %dma_start3A_305] : memref<4x8192x2048xf32, #tpu.memory_space<hbm>> -> memref<1x56x2048xf32, #tpu.memory_space<hbm>>
    %dma_start3A_307 = tpu.memref_squeeze %dma_start3A_306 : memref<1x56x2048xf32, #tpu.memory_space<hbm>> -> memref<56x2048xf32, #tpu.memory_space<hbm>>
    %dma_start3A_308 = arith.constant 0 : i32
    %dma_start3A_309 = tpu.memref_slice %arg3[%dma_start3A_301, %add3A_254, %dma_start3A_308] : memref<4x8192x2048xf32, #tpu.memory_space<hbm>> -> memref<1x56x2048xf32, #tpu.memory_space<hbm>>
    %dma_start3A_310 = tpu.memref_squeeze %dma_start3A_309 : memref<1x56x2048xf32, #tpu.memory_space<hbm>> -> memref<56x2048xf32, #tpu.memory_space<hbm>>
    %dma_start3A_311 = arith.constant 0 : i32
    %dma_start3A_312 = arith.constant 0 : i32
    %dma_start3A_313 = tpu.memref_slice %arg4[%dma_start3A_311, %dma_start3A_312] : memref<56x2048xf32, #tpu.memory_space<vmem>> -> memref<56x2048xf32, #tpu.memory_space<vmem>>
    tpu.enqueue_dma source(%dma_start3A_313 : memref<56x2048xf32, #tpu.memory_space<vmem>>) target(%dma_start3A_310 : memref<56x2048xf32, #tpu.memory_space<hbm>>) target_semaphore(%arg6 : memref<!tpu.dma_semaphore, #tpu.memory_space<semaphore_mem>>)
    %dma_start3A_314 = arith.constant 3 : i32
    %dma_start3A_315 = arith.constant 0 : i32
    %dma_start3A_316 = arith.constant 0 : i32
    %dma_start3A_317 = tpu.memref_slice %arg4[%dma_start3A_315, %dma_start3A_316] : memref<56x2048xf32, #tpu.memory_space<vmem>> -> memref<56x2048xf32, #tpu.memory_space<vmem>>
    %dma_start3A_318 = arith.constant 0 : i32
    %dma_start3A_319 = tpu.memref_slice %arg3[%dma_start3A_314, %add3A_254, %dma_start3A_318] : memref<4x8192x2048xf32, #tpu.memory_space<hbm>> -> memref<1x56x2048xf32, #tpu.memory_space<hbm>>
    %dma_start3A_320 = tpu.memref_squeeze %dma_start3A_319 : memref<1x56x2048xf32, #tpu.memory_space<hbm>> -> memref<56x2048xf32, #tpu.memory_space<hbm>>
    %dma_start3A_321 = arith.constant 0 : i32
    %dma_start3A_322 = tpu.memref_slice %arg3[%dma_start3A_314, %add3A_254, %dma_start3A_321] : memref<4x8192x2048xf32, #tpu.memory_space<hbm>> -> memref<1x56x2048xf32, #tpu.memory_space<hbm>>
    %dma_start3A_323 = tpu.memref_squeeze %dma_start3A_322 : memref<1x56x2048xf32, #tpu.memory_space<hbm>> -> memref<56x2048xf32, #tpu.memory_space<hbm>>
    %dma_start3A_324 = arith.constant 0 : i32
    %dma_start3A_325 = arith.constant 0 : i32
    %dma_start3A_326 = tpu.memref_slice %arg4[%dma_start3A_324, %dma_start3A_325] : memref<56x2048xf32, #tpu.memory_space<vmem>> -> memref<56x2048xf32, #tpu.memory_space<vmem>>
    tpu.enqueue_dma source(%dma_start3A_326 : memref<56x2048xf32, #tpu.memory_space<vmem>>) target(%dma_start3A_323 : memref<56x2048xf32, #tpu.memory_space<hbm>>) target_semaphore(%arg6 : memref<!tpu.dma_semaphore, #tpu.memory_space<semaphore_mem>>)
    %dma_wait3A_327 = arith.constant 0 : i32
    %dma_wait3A_328 = arith.constant 0 : i32
    %dma_wait3A_329 = arith.constant 0 : i32
    %dma_wait3A_330 = tpu.memref_slice %arg4[%dma_wait3A_328, %dma_wait3A_329] : memref<56x2048xf32, #tpu.memory_space<vmem>> -> memref<56x2048xf32, #tpu.memory_space<vmem>>
    %dma_wait3A_331 = arith.constant 0 : i32
    %dma_wait3A_332 = tpu.memref_slice %arg3[%dma_wait3A_327, %add3A_254, %dma_wait3A_331] : memref<4x8192x2048xf32, #tpu.memory_space<hbm>> -> memref<1x56x2048xf32, #tpu.memory_space<hbm>>
    %dma_wait3A_333 = tpu.memref_squeeze %dma_wait3A_332 : memref<1x56x2048xf32, #tpu.memory_space<hbm>> -> memref<56x2048xf32, #tpu.memory_space<hbm>>
    %dma_wait3A_334 = arith.constant 0 : i32
    %dma_wait3A_335 = tpu.memref_slice %arg3[%dma_wait3A_327, %add3A_254, %dma_wait3A_334] : memref<4x8192x2048xf32, #tpu.memory_space<hbm>> -> memref<1x56x2048xf32, #tpu.memory_space<hbm>>
    %dma_wait3A_336 = tpu.memref_squeeze %dma_wait3A_335 : memref<1x56x2048xf32, #tpu.memory_space<hbm>> -> memref<56x2048xf32, #tpu.memory_space<hbm>>
    %dma_wait3A_337 = arith.constant 0 : i32
    %dma_wait3A_338 = arith.constant 0 : i32
    %dma_wait3A_339 = tpu.memref_slice %arg4[%dma_wait3A_337, %dma_wait3A_338] : memref<56x2048xf32, #tpu.memory_space<vmem>> -> memref<56x2048xf32, #tpu.memory_space<vmem>>
    tpu.wait_dma2 semaphore(%arg6 : memref<!tpu.dma_semaphore, #tpu.memory_space<semaphore_mem>>) src(%dma_wait3A_339 : memref<56x2048xf32, #tpu.memory_space<vmem>>) dst(%dma_wait3A_336 : memref<56x2048xf32, #tpu.memory_space<hbm>>)
    %dma_wait3A_340 = arith.constant 1 : i32
    %dma_wait3A_341 = arith.constant 0 : i32
    %dma_wait3A_342 = arith.constant 0 : i32
    %dma_wait3A_343 = tpu.memref_slice %arg4[%dma_wait3A_341, %dma_wait3A_342] : memref<56x2048xf32, #tpu.memory_space<vmem>> -> memref<56x2048xf32, #tpu.memory_space<vmem>>
    %dma_wait3A_344 = arith.constant 0 : i32
    %dma_wait3A_345 = tpu.memref_slice %arg3[%dma_wait3A_340, %add3A_254, %dma_wait3A_344] : memref<4x8192x2048xf32, #tpu.memory_space<hbm>> -> memref<1x56x2048xf32, #tpu.memory_space<hbm>>
    %dma_wait3A_346 = tpu.memref_squeeze %dma_wait3A_345 : memref<1x56x2048xf32, #tpu.memory_space<hbm>> -> memref<56x2048xf32, #tpu.memory_space<hbm>>
    %dma_wait3A_347 = arith.constant 0 : i32
    %dma_wait3A_348 = tpu.memref_slice %arg3[%dma_wait3A_340, %add3A_254, %dma_wait3A_347] : memref<4x8192x2048xf32, #tpu.memory_space<hbm>> -> memref<1x56x2048xf32, #tpu.memory_space<hbm>>
    %dma_wait3A_349 = tpu.memref_squeeze %dma_wait3A_348 : memref<1x56x2048xf32, #tpu.memory_space<hbm>> -> memref<56x2048xf32, #tpu.memory_space<hbm>>
    %dma_wait3A_350 = arith.constant 0 : i32
    %dma_wait3A_351 = arith.constant 0 : i32
    %dma_wait3A_352 = tpu.memref_slice %arg4[%dma_wait3A_350, %dma_wait3A_351] : memref<56x2048xf32, #tpu.memory_space<vmem>> -> memref<56x2048xf32, #tpu.memory_space<vmem>>
    tpu.wait_dma2 semaphore(%arg6 : memref<!tpu.dma_semaphore, #tpu.memory_space<semaphore_mem>>) src(%dma_wait3A_352 : memref<56x2048xf32, #tpu.memory_space<vmem>>) dst(%dma_wait3A_349 : memref<56x2048xf32, #tpu.memory_space<hbm>>)
    %dma_wait3A_353 = arith.constant 2 : i32
    %dma_wait3A_354 = arith.constant 0 : i32
    %dma_wait3A_355 = arith.constant 0 : i32
    %dma_wait3A_356 = tpu.memref_slice %arg4[%dma_wait3A_354, %dma_wait3A_355] : memref<56x2048xf32, #tpu.memory_space<vmem>> -> memref<56x2048xf32, #tpu.memory_space<vmem>>
    %dma_wait3A_357 = arith.constant 0 : i32
    %dma_wait3A_358 = tpu.memref_slice %arg3[%dma_wait3A_353, %add3A_254, %dma_wait3A_357] : memref<4x8192x2048xf32, #tpu.memory_space<hbm>> -> memref<1x56x2048xf32, #tpu.memory_space<hbm>>
    %dma_wait3A_359 = tpu.memref_squeeze %dma_wait3A_358 : memref<1x56x2048xf32, #tpu.memory_space<hbm>> -> memref<56x2048xf32, #tpu.memory_space<hbm>>
    %dma_wait3A_360 = arith.constant 0 : i32
    %dma_wait3A_361 = tpu.memref_slice %arg3[%dma_wait3A_353, %add3A_254, %dma_wait3A_360] : memref<4x8192x2048xf32, #tpu.memory_space<hbm>> -> memref<1x56x2048xf32, #tpu.memory_space<hbm>>
    %dma_wait3A_362 = tpu.memref_squeeze %dma_wait3A_361 : memref<1x56x2048xf32, #tpu.memory_space<hbm>> -> memref<56x2048xf32, #tpu.memory_space<hbm>>
    %dma_wait3A_363 = arith.constant 0 : i32
    %dma_wait3A_364 = arith.constant 0 : i32
    %dma_wait3A_365 = tpu.memref_slice %arg4[%dma_wait3A_363, %dma_wait3A_364] : memref<56x2048xf32, #tpu.memory_space<vmem>> -> memref<56x2048xf32, #tpu.memory_space<vmem>>
    tpu.wait_dma2 semaphore(%arg6 : memref<!tpu.dma_semaphore, #tpu.memory_space<semaphore_mem>>) src(%dma_wait3A_365 : memref<56x2048xf32, #tpu.memory_space<vmem>>) dst(%dma_wait3A_362 : memref<56x2048xf32, #tpu.memory_space<hbm>>)
    %dma_wait3A_366 = arith.constant 3 : i32
    %dma_wait3A_367 = arith.constant 0 : i32
    %dma_wait3A_368 = arith.constant 0 : i32
    %dma_wait3A_369 = tpu.memref_slice %arg4[%dma_wait3A_367, %dma_wait3A_368] : memref<56x2048xf32, #tpu.memory_space<vmem>> -> memref<56x2048xf32, #tpu.memory_space<vmem>>
    %dma_wait3A_370 = arith.constant 0 : i32
    %dma_wait3A_371 = tpu.memref_slice %arg3[%dma_wait3A_366, %add3A_254, %dma_wait3A_370] : memref<4x8192x2048xf32, #tpu.memory_space<hbm>> -> memref<1x56x2048xf32, #tpu.memory_space<hbm>>
    %dma_wait3A_372 = tpu.memref_squeeze %dma_wait3A_371 : memref<1x56x2048xf32, #tpu.memory_space<hbm>> -> memref<56x2048xf32, #tpu.memory_space<hbm>>
    %dma_wait3A_373 = arith.constant 0 : i32
    %dma_wait3A_374 = tpu.memref_slice %arg3[%dma_wait3A_366, %add3A_254, %dma_wait3A_373] : memref<4x8192x2048xf32, #tpu.memory_space<hbm>> -> memref<1x56x2048xf32, #tpu.memory_space<hbm>>
    %dma_wait3A_375 = tpu.memref_squeeze %dma_wait3A_374 : memref<1x56x2048xf32, #tpu.memory_space<hbm>> -> memref<56x2048xf32, #tpu.memory_space<hbm>>
    %dma_wait3A_376 = arith.constant 0 : i32
    %dma_wait3A_377 = arith.constant 0 : i32
    %dma_wait3A_378 = tpu.memref_slice %arg4[%dma_wait3A_376, %dma_wait3A_377] : memref<56x2048xf32, #tpu.memory_space<vmem>> -> memref<56x2048xf32, #tpu.memory_space<vmem>>
    tpu.wait_dma2 semaphore(%arg6 : memref<!tpu.dma_semaphore, #tpu.memory_space<semaphore_mem>>) src(%dma_wait3A_378 : memref<56x2048xf32, #tpu.memory_space<vmem>>) dst(%dma_wait3A_375 : memref<56x2048xf32, #tpu.memory_space<hbm>>)
    %add3A_379 = arith.constant 168 : i32
    %add3A_380 = arith.addi %mul3A_2, %add3A_379 : i32
    %dma_start3A_381 = arith.constant 0 : i32
    %dma_start3A_382 = arith.constant 0 : i32
    %dma_start3A_383 = tpu.memref_slice %arg4[%dma_start3A_381, %dma_start3A_382] : memref<56x2048xf32, #tpu.memory_space<vmem>> -> memref<56x2048xf32, #tpu.memory_space<vmem>>
    %dma_start3A_384 = arith.constant 0 : i32
    %dma_start3A_385 = tpu.memref_slice %arg2[%add3A_380, %dma_start3A_384] : memref<8192x2048xf32, #tpu.memory_space<hbm>> -> memref<56x2048xf32, #tpu.memory_space<hbm>>
    %dma_start3A_386 = arith.constant 0 : i32
    %dma_start3A_387 = arith.constant 0 : i32
    %dma_start3A_388 = tpu.memref_slice %arg4[%dma_start3A_386, %dma_start3A_387] : memref<56x2048xf32, #tpu.memory_space<vmem>> -> memref<56x2048xf32, #tpu.memory_space<vmem>>
    %dma_start3A_389 = arith.constant 0 : i32
    %dma_start3A_390 = tpu.memref_slice %arg2[%add3A_380, %dma_start3A_389] : memref<8192x2048xf32, #tpu.memory_space<hbm>> -> memref<56x2048xf32, #tpu.memory_space<hbm>>
    tpu.enqueue_dma source(%dma_start3A_390 : memref<56x2048xf32, #tpu.memory_space<hbm>>) target(%dma_start3A_388 : memref<56x2048xf32, #tpu.memory_space<vmem>>) target_semaphore(%arg5 : memref<!tpu.dma_semaphore, #tpu.memory_space<semaphore_mem>>)
    %dma_wait3A_391 = arith.constant 0 : i32
    %dma_wait3A_392 = arith.constant 0 : i32
    %dma_wait3A_393 = tpu.memref_slice %arg4[%dma_wait3A_391, %dma_wait3A_392] : memref<56x2048xf32, #tpu.memory_space<vmem>> -> memref<56x2048xf32, #tpu.memory_space<vmem>>
    %dma_wait3A_394 = arith.constant 0 : i32
    %dma_wait3A_395 = tpu.memref_slice %arg2[%add3A_380, %dma_wait3A_394] : memref<8192x2048xf32, #tpu.memory_space<hbm>> -> memref<56x2048xf32, #tpu.memory_space<hbm>>
    %dma_wait3A_396 = arith.constant 0 : i32
    %dma_wait3A_397 = arith.constant 0 : i32
    %dma_wait3A_398 = tpu.memref_slice %arg4[%dma_wait3A_396, %dma_wait3A_397] : memref<56x2048xf32, #tpu.memory_space<vmem>> -> memref<56x2048xf32, #tpu.memory_space<vmem>>
    %dma_wait3A_399 = arith.constant 0 : i32
    %dma_wait3A_400 = tpu.memref_slice %arg2[%add3A_380, %dma_wait3A_399] : memref<8192x2048xf32, #tpu.memory_space<hbm>> -> memref<56x2048xf32, #tpu.memory_space<hbm>>
    tpu.wait_dma2 semaphore(%arg5 : memref<!tpu.dma_semaphore, #tpu.memory_space<semaphore_mem>>) src(%dma_wait3A_400 : memref<56x2048xf32, #tpu.memory_space<hbm>>) dst(%dma_wait3A_398 : memref<56x2048xf32, #tpu.memory_space<vmem>>)
    %dma_start3A_401 = arith.constant 0 : i32
    %dma_start3A_402 = arith.constant 0 : i32
    %dma_start3A_403 = arith.constant 0 : i32
    %dma_start3A_404 = tpu.memref_slice %arg4[%dma_start3A_402, %dma_start3A_403] : memref<56x2048xf32, #tpu.memory_space<vmem>> -> memref<56x2048xf32, #tpu.memory_space<vmem>>
    %dma_start3A_405 = arith.constant 0 : i32
    %dma_start3A_406 = tpu.memref_slice %arg3[%dma_start3A_401, %add3A_380, %dma_start3A_405] : memref<4x8192x2048xf32, #tpu.memory_space<hbm>> -> memref<1x56x2048xf32, #tpu.memory_space<hbm>>
    %dma_start3A_407 = tpu.memref_squeeze %dma_start3A_406 : memref<1x56x2048xf32, #tpu.memory_space<hbm>> -> memref<56x2048xf32, #tpu.memory_space<hbm>>
    %dma_start3A_408 = arith.constant 0 : i32
    %dma_start3A_409 = tpu.memref_slice %arg3[%dma_start3A_401, %add3A_380, %dma_start3A_408] : memref<4x8192x2048xf32, #tpu.memory_space<hbm>> -> memref<1x56x2048xf32, #tpu.memory_space<hbm>>
    %dma_start3A_410 = tpu.memref_squeeze %dma_start3A_409 : memref<1x56x2048xf32, #tpu.memory_space<hbm>> -> memref<56x2048xf32, #tpu.memory_space<hbm>>
    %dma_start3A_411 = arith.constant 0 : i32
    %dma_start3A_412 = arith.constant 0 : i32
    %dma_start3A_413 = tpu.memref_slice %arg4[%dma_start3A_411, %dma_start3A_412] : memref<56x2048xf32, #tpu.memory_space<vmem>> -> memref<56x2048xf32, #tpu.memory_space<vmem>>
    tpu.enqueue_dma source(%dma_start3A_413 : memref<56x2048xf32, #tpu.memory_space<vmem>>) target(%dma_start3A_410 : memref<56x2048xf32, #tpu.memory_space<hbm>>) target_semaphore(%arg6 : memref<!tpu.dma_semaphore, #tpu.memory_space<semaphore_mem>>)
    %dma_start3A_414 = arith.constant 1 : i32
    %dma_start3A_415 = arith.constant 0 : i32
    %dma_start3A_416 = arith.constant 0 : i32
    %dma_start3A_417 = tpu.memref_slice %arg4[%dma_start3A_415, %dma_start3A_416] : memref<56x2048xf32, #tpu.memory_space<vmem>> -> memref<56x2048xf32, #tpu.memory_space<vmem>>
    %dma_start3A_418 = arith.constant 0 : i32
    %dma_start3A_419 = tpu.memref_slice %arg3[%dma_start3A_414, %add3A_380, %dma_start3A_418] : memref<4x8192x2048xf32, #tpu.memory_space<hbm>> -> memref<1x56x2048xf32, #tpu.memory_space<hbm>>
    %dma_start3A_420 = tpu.memref_squeeze %dma_start3A_419 : memref<1x56x2048xf32, #tpu.memory_space<hbm>> -> memref<56x2048xf32, #tpu.memory_space<hbm>>
    %dma_start3A_421 = arith.constant 0 : i32
    %dma_start3A_422 = tpu.memref_slice %arg3[%dma_start3A_414, %add3A_380, %dma_start3A_421] : memref<4x8192x2048xf32, #tpu.memory_space<hbm>> -> memref<1x56x2048xf32, #tpu.memory_space<hbm>>
    %dma_start3A_423 = tpu.memref_squeeze %dma_start3A_422 : memref<1x56x2048xf32, #tpu.memory_space<hbm>> -> memref<56x2048xf32, #tpu.memory_space<hbm>>
    %dma_start3A_424 = arith.constant 0 : i32
    %dma_start3A_425 = arith.constant 0 : i32
    %dma_start3A_426 = tpu.memref_slice %arg4[%dma_start3A_424, %dma_start3A_425] : memref<56x2048xf32, #tpu.memory_space<vmem>> -> memref<56x2048xf32, #tpu.memory_space<vmem>>
    tpu.enqueue_dma source(%dma_start3A_426 : memref<56x2048xf32, #tpu.memory_space<vmem>>) target(%dma_start3A_423 : memref<56x2048xf32, #tpu.memory_space<hbm>>) target_semaphore(%arg6 : memref<!tpu.dma_semaphore, #tpu.memory_space<semaphore_mem>>)
    %dma_start3A_427 = arith.constant 2 : i32
    %dma_start3A_428 = arith.constant 0 : i32
    %dma_start3A_429 = arith.constant 0 : i32
    %dma_start3A_430 = tpu.memref_slice %arg4[%dma_start3A_428, %dma_start3A_429] : memref<56x2048xf32, #tpu.memory_space<vmem>> -> memref<56x2048xf32, #tpu.memory_space<vmem>>
    %dma_start3A_431 = arith.constant 0 : i32
    %dma_start3A_432 = tpu.memref_slice %arg3[%dma_start3A_427, %add3A_380, %dma_start3A_431] : memref<4x8192x2048xf32, #tpu.memory_space<hbm>> -> memref<1x56x2048xf32, #tpu.memory_space<hbm>>
    %dma_start3A_433 = tpu.memref_squeeze %dma_start3A_432 : memref<1x56x2048xf32, #tpu.memory_space<hbm>> -> memref<56x2048xf32, #tpu.memory_space<hbm>>
    %dma_start3A_434 = arith.constant 0 : i32
    %dma_start3A_435 = tpu.memref_slice %arg3[%dma_start3A_427, %add3A_380, %dma_start3A_434] : memref<4x8192x2048xf32, #tpu.memory_space<hbm>> -> memref<1x56x2048xf32, #tpu.memory_space<hbm>>
    %dma_start3A_436 = tpu.memref_squeeze %dma_start3A_435 : memref<1x56x2048xf32, #tpu.memory_space<hbm>> -> memref<56x2048xf32, #tpu.memory_space<hbm>>
    %dma_start3A_437 = arith.constant 0 : i32
    %dma_start3A_438 = arith.constant 0 : i32
    %dma_start3A_439 = tpu.memref_slice %arg4[%dma_start3A_437, %dma_start3A_438] : memref<56x2048xf32, #tpu.memory_space<vmem>> -> memref<56x2048xf32, #tpu.memory_space<vmem>>
    tpu.enqueue_dma source(%dma_start3A_439 : memref<56x2048xf32, #tpu.memory_space<vmem>>) target(%dma_start3A_436 : memref<56x2048xf32, #tpu.memory_space<hbm>>) target_semaphore(%arg6 : memref<!tpu.dma_semaphore, #tpu.memory_space<semaphore_mem>>)
    %dma_start3A_440 = arith.constant 3 : i32
    %dma_start3A_441 = arith.constant 0 : i32
    %dma_start3A_442 = arith.constant 0 : i32
    %dma_start3A_443 = tpu.memref_slice %arg4[%dma_start3A_441, %dma_start3A_442] : memref<56x2048xf32, #tpu.memory_space<vmem>> -> memref<56x2048xf32, #tpu.memory_space<vmem>>
    %dma_start3A_444 = arith.constant 0 : i32
    %dma_start3A_445 = tpu.memref_slice %arg3[%dma_start3A_440, %add3A_380, %dma_start3A_444] : memref<4x8192x2048xf32, #tpu.memory_space<hbm>> -> memref<1x56x2048xf32, #tpu.memory_space<hbm>>
    %dma_start3A_446 = tpu.memref_squeeze %dma_start3A_445 : memref<1x56x2048xf32, #tpu.memory_space<hbm>> -> memref<56x2048xf32, #tpu.memory_space<hbm>>
    %dma_start3A_447 = arith.constant 0 : i32
    %dma_start3A_448 = tpu.memref_slice %arg3[%dma_start3A_440, %add3A_380, %dma_start3A_447] : memref<4x8192x2048xf32, #tpu.memory_space<hbm>> -> memref<1x56x2048xf32, #tpu.memory_space<hbm>>
    %dma_start3A_449 = tpu.memref_squeeze %dma_start3A_448 : memref<1x56x2048xf32, #tpu.memory_space<hbm>> -> memref<56x2048xf32, #tpu.memory_space<hbm>>
    %dma_start3A_450 = arith.constant 0 : i32
    %dma_start3A_451 = arith.constant 0 : i32
    %dma_start3A_452 = tpu.memref_slice %arg4[%dma_start3A_450, %dma_start3A_451] : memref<56x2048xf32, #tpu.memory_space<vmem>> -> memref<56x2048xf32, #tpu.memory_space<vmem>>
    tpu.enqueue_dma source(%dma_start3A_452 : memref<56x2048xf32, #tpu.memory_space<vmem>>) target(%dma_start3A_449 : memref<56x2048xf32, #tpu.memory_space<hbm>>) target_semaphore(%arg6 : memref<!tpu.dma_semaphore, #tpu.memory_space<semaphore_mem>>)
    %dma_wait3A_453 = arith.constant 0 : i32
    %dma_wait3A_454 = arith.constant 0 : i32
    %dma_wait3A_455 = arith.constant 0 : i32
    %dma_wait3A_456 = tpu.memref_slice %arg4[%dma_wait3A_454, %dma_wait3A_455] : memref<56x2048xf32, #tpu.memory_space<vmem>> -> memref<56x2048xf32, #tpu.memory_space<vmem>>
    %dma_wait3A_457 = arith.constant 0 : i32
    %dma_wait3A_458 = tpu.memref_slice %arg3[%dma_wait3A_453, %add3A_380, %dma_wait3A_457] : memref<4x8192x2048xf32, #tpu.memory_space<hbm>> -> memref<1x56x2048xf32, #tpu.memory_space<hbm>>
    %dma_wait3A_459 = tpu.memref_squeeze %dma_wait3A_458 : memref<1x56x2048xf32, #tpu.memory_space<hbm>> -> memref<56x2048xf32, #tpu.memory_space<hbm>>
    %dma_wait3A_460 = arith.constant 0 : i32
    %dma_wait3A_461 = tpu.memref_slice %arg3[%dma_wait3A_453, %add3A_380, %dma_wait3A_460] : memref<4x8192x2048xf32, #tpu.memory_space<hbm>> -> memref<1x56x2048xf32, #tpu.memory_space<hbm>>
    %dma_wait3A_462 = tpu.memref_squeeze %dma_wait3A_461 : memref<1x56x2048xf32, #tpu.memory_space<hbm>> -> memref<56x2048xf32, #tpu.memory_space<hbm>>
    %dma_wait3A_463 = arith.constant 0 : i32
    %dma_wait3A_464 = arith.constant 0 : i32
    %dma_wait3A_465 = tpu.memref_slice %arg4[%dma_wait3A_463, %dma_wait3A_464] : memref<56x2048xf32, #tpu.memory_space<vmem>> -> memref<56x2048xf32, #tpu.memory_space<vmem>>
    tpu.wait_dma2 semaphore(%arg6 : memref<!tpu.dma_semaphore, #tpu.memory_space<semaphore_mem>>) src(%dma_wait3A_465 : memref<56x2048xf32, #tpu.memory_space<vmem>>) dst(%dma_wait3A_462 : memref<56x2048xf32, #tpu.memory_space<hbm>>)
    %dma_wait3A_466 = arith.constant 1 : i32
    %dma_wait3A_467 = arith.constant 0 : i32
    %dma_wait3A_468 = arith.constant 0 : i32
    %dma_wait3A_469 = tpu.memref_slice %arg4[%dma_wait3A_467, %dma_wait3A_468] : memref<56x2048xf32, #tpu.memory_space<vmem>> -> memref<56x2048xf32, #tpu.memory_space<vmem>>
    %dma_wait3A_470 = arith.constant 0 : i32
    %dma_wait3A_471 = tpu.memref_slice %arg3[%dma_wait3A_466, %add3A_380, %dma_wait3A_470] : memref<4x8192x2048xf32, #tpu.memory_space<hbm>> -> memref<1x56x2048xf32, #tpu.memory_space<hbm>>
    %dma_wait3A_472 = tpu.memref_squeeze %dma_wait3A_471 : memref<1x56x2048xf32, #tpu.memory_space<hbm>> -> memref<56x2048xf32, #tpu.memory_space<hbm>>
    %dma_wait3A_473 = arith.constant 0 : i32
    %dma_wait3A_474 = tpu.memref_slice %arg3[%dma_wait3A_466, %add3A_380, %dma_wait3A_473] : memref<4x8192x2048xf32, #tpu.memory_space<hbm>> -> memref<1x56x2048xf32, #tpu.memory_space<hbm>>
    %dma_wait3A_475 = tpu.memref_squeeze %dma_wait3A_474 : memref<1x56x2048xf32, #tpu.memory_space<hbm>> -> memref<56x2048xf32, #tpu.memory_space<hbm>>
    %dma_wait3A_476 = arith.constant 0 : i32
    %dma_wait3A_477 = arith.constant 0 : i32
    %dma_wait3A_478 = tpu.memref_slice %arg4[%dma_wait3A_476, %dma_wait3A_477] : memref<56x2048xf32, #tpu.memory_space<vmem>> -> memref<56x2048xf32, #tpu.memory_space<vmem>>
    tpu.wait_dma2 semaphore(%arg6 : memref<!tpu.dma_semaphore, #tpu.memory_space<semaphore_mem>>) src(%dma_wait3A_478 : memref<56x2048xf32, #tpu.memory_space<vmem>>) dst(%dma_wait3A_475 : memref<56x2048xf32, #tpu.memory_space<hbm>>)
    %dma_wait3A_479 = arith.constant 2 : i32
    %dma_wait3A_480 = arith.constant 0 : i32
    %dma_wait3A_481 = arith.constant 0 : i32
    %dma_wait3A_482 = tpu.memref_slice %arg4[%dma_wait3A_480, %dma_wait3A_481] : memref<56x2048xf32, #tpu.memory_space<vmem>> -> memref<56x2048xf32, #tpu.memory_space<vmem>>
    %dma_wait3A_483 = arith.constant 0 : i32
    %dma_wait3A_484 = tpu.memref_slice %arg3[%dma_wait3A_479, %add3A_380, %dma_wait3A_483] : memref<4x8192x2048xf32, #tpu.memory_space<hbm>> -> memref<1x56x2048xf32, #tpu.memory_space<hbm>>
    %dma_wait3A_485 = tpu.memref_squeeze %dma_wait3A_484 : memref<1x56x2048xf32, #tpu.memory_space<hbm>> -> memref<56x2048xf32, #tpu.memory_space<hbm>>
    %dma_wait3A_486 = arith.constant 0 : i32
    %dma_wait3A_487 = tpu.memref_slice %arg3[%dma_wait3A_479, %add3A_380, %dma_wait3A_486] : memref<4x8192x2048xf32, #tpu.memory_space<hbm>> -> memref<1x56x2048xf32, #tpu.memory_space<hbm>>
    %dma_wait3A_488 = tpu.memref_squeeze %dma_wait3A_487 : memref<1x56x2048xf32, #tpu.memory_space<hbm>> -> memref<56x2048xf32, #tpu.memory_space<hbm>>
    %dma_wait3A_489 = arith.constant 0 : i32
    %dma_wait3A_490 = arith.constant 0 : i32
    %dma_wait3A_491 = tpu.memref_slice %arg4[%dma_wait3A_489, %dma_wait3A_490] : memref<56x2048xf32, #tpu.memory_space<vmem>> -> memref<56x2048xf32, #tpu.memory_space<vmem>>
    tpu.wait_dma2 semaphore(%arg6 : memref<!tpu.dma_semaphore, #tpu.memory_space<semaphore_mem>>) src(%dma_wait3A_491 : memref<56x2048xf32, #tpu.memory_space<vmem>>) dst(%dma_wait3A_488 : memref<56x2048xf32, #tpu.memory_space<hbm>>)
    %dma_wait3A_492 = arith.constant 3 : i32
    %dma_wait3A_493 = arith.constant 0 : i32
    %dma_wait3A_494 = arith.constant 0 : i32
    %dma_wait3A_495 = tpu.memref_slice %arg4[%dma_wait3A_493, %dma_wait3A_494] : memref<56x2048xf32, #tpu.memory_space<vmem>> -> memref<56x2048xf32, #tpu.memory_space<vmem>>
    %dma_wait3A_496 = arith.constant 0 : i32
    %dma_wait3A_497 = tpu.memref_slice %arg3[%dma_wait3A_492, %add3A_380, %dma_wait3A_496] : memref<4x8192x2048xf32, #tpu.memory_space<hbm>> -> memref<1x56x2048xf32, #tpu.memory_space<hbm>>
    %dma_wait3A_498 = tpu.memref_squeeze %dma_wait3A_497 : memref<1x56x2048xf32, #tpu.memory_space<hbm>> -> memref<56x2048xf32, #tpu.memory_space<hbm>>
    %dma_wait3A_499 = arith.constant 0 : i32
    %dma_wait3A_500 = tpu.memref_slice %arg3[%dma_wait3A_492, %add3A_380, %dma_wait3A_499] : memref<4x8192x2048xf32, #tpu.memory_space<hbm>> -> memref<1x56x2048xf32, #tpu.memory_space<hbm>>
    %dma_wait3A_501 = tpu.memref_squeeze %dma_wait3A_500 : memref<1x56x2048xf32, #tpu.memory_space<hbm>> -> memref<56x2048xf32, #tpu.memory_space<hbm>>
    %dma_wait3A_502 = arith.constant 0 : i32
    %dma_wait3A_503 = arith.constant 0 : i32
    %dma_wait3A_504 = tpu.memref_slice %arg4[%dma_wait3A_502, %dma_wait3A_503] : memref<56x2048xf32, #tpu.memory_space<vmem>> -> memref<56x2048xf32, #tpu.memory_space<vmem>>
    tpu.wait_dma2 semaphore(%arg6 : memref<!tpu.dma_semaphore, #tpu.memory_space<semaphore_mem>>) src(%dma_wait3A_504 : memref<56x2048xf32, #tpu.memory_space<vmem>>) dst(%dma_wait3A_501 : memref<56x2048xf32, #tpu.memory_space<hbm>>)
    %add3A_505 = arith.constant 224 : i32
    %add3A_506 = arith.addi %mul3A_2, %add3A_505 : i32
    %dma_start3A_507 = arith.constant 0 : i32
    %dma_start3A_508 = arith.constant 0 : i32
    %dma_start3A_509 = tpu.memref_slice %arg4[%dma_start3A_507, %dma_start3A_508] : memref<56x2048xf32, #tpu.memory_space<vmem>> -> memref<32x2048xf32, #tpu.memory_space<vmem>>
    %dma_start3A_510 = arith.constant 0 : i32
    %dma_start3A_511 = tpu.memref_slice %arg2[%add3A_506, %dma_start3A_510] : memref<8192x2048xf32, #tpu.memory_space<hbm>> -> memref<32x2048xf32, #tpu.memory_space<hbm>>
    %dma_start3A_512 = arith.constant 0 : i32
    %dma_start3A_513 = arith.constant 0 : i32
    %dma_start3A_514 = tpu.memref_slice %arg4[%dma_start3A_512, %dma_start3A_513] : memref<56x2048xf32, #tpu.memory_space<vmem>> -> memref<32x2048xf32, #tpu.memory_space<vmem>>
    %dma_start3A_515 = arith.constant 0 : i32
    %dma_start3A_516 = tpu.memref_slice %arg2[%add3A_506, %dma_start3A_515] : memref<8192x2048xf32, #tpu.memory_space<hbm>> -> memref<32x2048xf32, #tpu.memory_space<hbm>>
    tpu.enqueue_dma source(%dma_start3A_516 : memref<32x2048xf32, #tpu.memory_space<hbm>>) target(%dma_start3A_514 : memref<32x2048xf32, #tpu.memory_space<vmem>>) target_semaphore(%arg5 : memref<!tpu.dma_semaphore, #tpu.memory_space<semaphore_mem>>)
    %dma_wait3A_517 = arith.constant 0 : i32
    %dma_wait3A_518 = arith.constant 0 : i32
    %dma_wait3A_519 = tpu.memref_slice %arg4[%dma_wait3A_517, %dma_wait3A_518] : memref<56x2048xf32, #tpu.memory_space<vmem>> -> memref<32x2048xf32, #tpu.memory_space<vmem>>
    %dma_wait3A_520 = arith.constant 0 : i32
    %dma_wait3A_521 = tpu.memref_slice %arg2[%add3A_506, %dma_wait3A_520] : memref<8192x2048xf32, #tpu.memory_space<hbm>> -> memref<32x2048xf32, #tpu.memory_space<hbm>>
    %dma_wait3A_522 = arith.constant 0 : i32
    %dma_wait3A_523 = arith.constant 0 : i32
    %dma_wait3A_524 = tpu.memref_slice %arg4[%dma_wait3A_522, %dma_wait3A_523] : memref<56x2048xf32, #tpu.memory_space<vmem>> -> memref<32x2048xf32, #tpu.memory_space<vmem>>
    %dma_wait3A_525 = arith.constant 0 : i32
    %dma_wait3A_526 = tpu.memref_slice %arg2[%add3A_506, %dma_wait3A_525] : memref<8192x2048xf32, #tpu.memory_space<hbm>> -> memref<32x2048xf32, #tpu.memory_space<hbm>>
    tpu.wait_dma2 semaphore(%arg5 : memref<!tpu.dma_semaphore, #tpu.memory_space<semaphore_mem>>) src(%dma_wait3A_526 : memref<32x2048xf32, #tpu.memory_space<hbm>>) dst(%dma_wait3A_524 : memref<32x2048xf32, #tpu.memory_space<vmem>>)
    %dma_start3A_527 = arith.constant 0 : i32
    %dma_start3A_528 = arith.constant 0 : i32
    %dma_start3A_529 = arith.constant 0 : i32
    %dma_start3A_530 = tpu.memref_slice %arg4[%dma_start3A_528, %dma_start3A_529] : memref<56x2048xf32, #tpu.memory_space<vmem>> -> memref<32x2048xf32, #tpu.memory_space<vmem>>
    %dma_start3A_531 = arith.constant 0 : i32
    %dma_start3A_532 = tpu.memref_slice %arg3[%dma_start3A_527, %add3A_506, %dma_start3A_531] : memref<4x8192x2048xf32, #tpu.memory_space<hbm>> -> memref<1x32x2048xf32, #tpu.memory_space<hbm>>
    %dma_start3A_533 = tpu.memref_squeeze %dma_start3A_532 : memref<1x32x2048xf32, #tpu.memory_space<hbm>> -> memref<32x2048xf32, #tpu.memory_space<hbm>>
    %dma_start3A_534 = arith.constant 0 : i32
    %dma_start3A_535 = tpu.memref_slice %arg3[%dma_start3A_527, %add3A_506, %dma_start3A_534] : memref<4x8192x2048xf32, #tpu.memory_space<hbm>> -> memref<1x32x2048xf32, #tpu.memory_space<hbm>>
    %dma_start3A_536 = tpu.memref_squeeze %dma_start3A_535 : memref<1x32x2048xf32, #tpu.memory_space<hbm>> -> memref<32x2048xf32, #tpu.memory_space<hbm>>
    %dma_start3A_537 = arith.constant 0 : i32
    %dma_start3A_538 = arith.constant 0 : i32
    %dma_start3A_539 = tpu.memref_slice %arg4[%dma_start3A_537, %dma_start3A_538] : memref<56x2048xf32, #tpu.memory_space<vmem>> -> memref<32x2048xf32, #tpu.memory_space<vmem>>
    tpu.enqueue_dma source(%dma_start3A_539 : memref<32x2048xf32, #tpu.memory_space<vmem>>) target(%dma_start3A_536 : memref<32x2048xf32, #tpu.memory_space<hbm>>) target_semaphore(%arg6 : memref<!tpu.dma_semaphore, #tpu.memory_space<semaphore_mem>>)
    %dma_start3A_540 = arith.constant 1 : i32
    %dma_start3A_541 = arith.constant 0 : i32
    %dma_start3A_542 = arith.constant 0 : i32
    %dma_start3A_543 = tpu.memref_slice %arg4[%dma_start3A_541, %dma_start3A_542] : memref<56x2048xf32, #tpu.memory_space<vmem>> -> memref<32x2048xf32, #tpu.memory_space<vmem>>
    %dma_start3A_544 = arith.constant 0 : i32
    %dma_start3A_545 = tpu.memref_slice %arg3[%dma_start3A_540, %add3A_506, %dma_start3A_544] : memref<4x8192x2048xf32, #tpu.memory_space<hbm>> -> memref<1x32x2048xf32, #tpu.memory_space<hbm>>
    %dma_start3A_546 = tpu.memref_squeeze %dma_start3A_545 : memref<1x32x2048xf32, #tpu.memory_space<hbm>> -> memref<32x2048xf32, #tpu.memory_space<hbm>>
    %dma_start3A_547 = arith.constant 0 : i32
    %dma_start3A_548 = tpu.memref_slice %arg3[%dma_start3A_540, %add3A_506, %dma_start3A_547] : memref<4x8192x2048xf32, #tpu.memory_space<hbm>> -> memref<1x32x2048xf32, #tpu.memory_space<hbm>>
    %dma_start3A_549 = tpu.memref_squeeze %dma_start3A_548 : memref<1x32x2048xf32, #tpu.memory_space<hbm>> -> memref<32x2048xf32, #tpu.memory_space<hbm>>
    %dma_start3A_550 = arith.constant 0 : i32
    %dma_start3A_551 = arith.constant 0 : i32
    %dma_start3A_552 = tpu.memref_slice %arg4[%dma_start3A_550, %dma_start3A_551] : memref<56x2048xf32, #tpu.memory_space<vmem>> -> memref<32x2048xf32, #tpu.memory_space<vmem>>
    tpu.enqueue_dma source(%dma_start3A_552 : memref<32x2048xf32, #tpu.memory_space<vmem>>) target(%dma_start3A_549 : memref<32x2048xf32, #tpu.memory_space<hbm>>) target_semaphore(%arg6 : memref<!tpu.dma_semaphore, #tpu.memory_space<semaphore_mem>>)
    %dma_start3A_553 = arith.constant 2 : i32
    %dma_start3A_554 = arith.constant 0 : i32
    %dma_start3A_555 = arith.constant 0 : i32
    %dma_start3A_556 = tpu.memref_slice %arg4[%dma_start3A_554, %dma_start3A_555] : memref<56x2048xf32, #tpu.memory_space<vmem>> -> memref<32x2048xf32, #tpu.memory_space<vmem>>
    %dma_start3A_557 = arith.constant 0 : i32
    %dma_start3A_558 = tpu.memref_slice %arg3[%dma_start3A_553, %add3A_506, %dma_start3A_557] : memref<4x8192x2048xf32, #tpu.memory_space<hbm>> -> memref<1x32x2048xf32, #tpu.memory_space<hbm>>
    %dma_start3A_559 = tpu.memref_squeeze %dma_start3A_558 : memref<1x32x2048xf32, #tpu.memory_space<hbm>> -> memref<32x2048xf32, #tpu.memory_space<hbm>>
    %dma_start3A_560 = arith.constant 0 : i32
    %dma_start3A_561 = tpu.memref_slice %arg3[%dma_start3A_553, %add3A_506, %dma_start3A_560] : memref<4x8192x2048xf32, #tpu.memory_space<hbm>> -> memref<1x32x2048xf32, #tpu.memory_space<hbm>>
    %dma_start3A_562 = tpu.memref_squeeze %dma_start3A_561 : memref<1x32x2048xf32, #tpu.memory_space<hbm>> -> memref<32x2048xf32, #tpu.memory_space<hbm>>
    %dma_start3A_563 = arith.constant 0 : i32
    %dma_start3A_564 = arith.constant 0 : i32
    %dma_start3A_565 = tpu.memref_slice %arg4[%dma_start3A_563, %dma_start3A_564] : memref<56x2048xf32, #tpu.memory_space<vmem>> -> memref<32x2048xf32, #tpu.memory_space<vmem>>
    tpu.enqueue_dma source(%dma_start3A_565 : memref<32x2048xf32, #tpu.memory_space<vmem>>) target(%dma_start3A_562 : memref<32x2048xf32, #tpu.memory_space<hbm>>) target_semaphore(%arg6 : memref<!tpu.dma_semaphore, #tpu.memory_space<semaphore_mem>>)
    %dma_start3A_566 = arith.constant 3 : i32
    %dma_start3A_567 = arith.constant 0 : i32
    %dma_start3A_568 = arith.constant 0 : i32
    %dma_start3A_569 = tpu.memref_slice %arg4[%dma_start3A_567, %dma_start3A_568] : memref<56x2048xf32, #tpu.memory_space<vmem>> -> memref<32x2048xf32, #tpu.memory_space<vmem>>
    %dma_start3A_570 = arith.constant 0 : i32
    %dma_start3A_571 = tpu.memref_slice %arg3[%dma_start3A_566, %add3A_506, %dma_start3A_570] : memref<4x8192x2048xf32, #tpu.memory_space<hbm>> -> memref<1x32x2048xf32, #tpu.memory_space<hbm>>
    %dma_start3A_572 = tpu.memref_squeeze %dma_start3A_571 : memref<1x32x2048xf32, #tpu.memory_space<hbm>> -> memref<32x2048xf32, #tpu.memory_space<hbm>>
    %dma_start3A_573 = arith.constant 0 : i32
    %dma_start3A_574 = tpu.memref_slice %arg3[%dma_start3A_566, %add3A_506, %dma_start3A_573] : memref<4x8192x2048xf32, #tpu.memory_space<hbm>> -> memref<1x32x2048xf32, #tpu.memory_space<hbm>>
    %dma_start3A_575 = tpu.memref_squeeze %dma_start3A_574 : memref<1x32x2048xf32, #tpu.memory_space<hbm>> -> memref<32x2048xf32, #tpu.memory_space<hbm>>
    %dma_start3A_576 = arith.constant 0 : i32
    %dma_start3A_577 = arith.constant 0 : i32
    %dma_start3A_578 = tpu.memref_slice %arg4[%dma_start3A_576, %dma_start3A_577] : memref<56x2048xf32, #tpu.memory_space<vmem>> -> memref<32x2048xf32, #tpu.memory_space<vmem>>
    tpu.enqueue_dma source(%dma_start3A_578 : memref<32x2048xf32, #tpu.memory_space<vmem>>) target(%dma_start3A_575 : memref<32x2048xf32, #tpu.memory_space<hbm>>) target_semaphore(%arg6 : memref<!tpu.dma_semaphore, #tpu.memory_space<semaphore_mem>>)
    %dma_wait3A_579 = arith.constant 0 : i32
    %dma_wait3A_580 = arith.constant 0 : i32
    %dma_wait3A_581 = arith.constant 0 : i32
    %dma_wait3A_582 = tpu.memref_slice %arg4[%dma_wait3A_580, %dma_wait3A_581] : memref<56x2048xf32, #tpu.memory_space<vmem>> -> memref<32x2048xf32, #tpu.memory_space<vmem>>
    %dma_wait3A_583 = arith.constant 0 : i32
    %dma_wait3A_584 = tpu.memref_slice %arg3[%dma_wait3A_579, %add3A_506, %dma_wait3A_583] : memref<4x8192x2048xf32, #tpu.memory_space<hbm>> -> memref<1x32x2048xf32, #tpu.memory_space<hbm>>
    %dma_wait3A_585 = tpu.memref_squeeze %dma_wait3A_584 : memref<1x32x2048xf32, #tpu.memory_space<hbm>> -> memref<32x2048xf32, #tpu.memory_space<hbm>>
    %dma_wait3A_586 = arith.constant 0 : i32
    %dma_wait3A_587 = tpu.memref_slice %arg3[%dma_wait3A_579, %add3A_506, %dma_wait3A_586] : memref<4x8192x2048xf32, #tpu.memory_space<hbm>> -> memref<1x32x2048xf32, #tpu.memory_space<hbm>>
    %dma_wait3A_588 = tpu.memref_squeeze %dma_wait3A_587 : memref<1x32x2048xf32, #tpu.memory_space<hbm>> -> memref<32x2048xf32, #tpu.memory_space<hbm>>
    %dma_wait3A_589 = arith.constant 0 : i32
    %dma_wait3A_590 = arith.constant 0 : i32
    %dma_wait3A_591 = tpu.memref_slice %arg4[%dma_wait3A_589, %dma_wait3A_590] : memref<56x2048xf32, #tpu.memory_space<vmem>> -> memref<32x2048xf32, #tpu.memory_space<vmem>>
    tpu.wait_dma2 semaphore(%arg6 : memref<!tpu.dma_semaphore, #tpu.memory_space<semaphore_mem>>) src(%dma_wait3A_591 : memref<32x2048xf32, #tpu.memory_space<vmem>>) dst(%dma_wait3A_588 : memref<32x2048xf32, #tpu.memory_space<hbm>>)
    %dma_wait3A_592 = arith.constant 1 : i32
    %dma_wait3A_593 = arith.constant 0 : i32
    %dma_wait3A_594 = arith.constant 0 : i32
    %dma_wait3A_595 = tpu.memref_slice %arg4[%dma_wait3A_593, %dma_wait3A_594] : memref<56x2048xf32, #tpu.memory_space<vmem>> -> memref<32x2048xf32, #tpu.memory_space<vmem>>
    %dma_wait3A_596 = arith.constant 0 : i32
    %dma_wait3A_597 = tpu.memref_slice %arg3[%dma_wait3A_592, %add3A_506, %dma_wait3A_596] : memref<4x8192x2048xf32, #tpu.memory_space<hbm>> -> memref<1x32x2048xf32, #tpu.memory_space<hbm>>
    %dma_wait3A_598 = tpu.memref_squeeze %dma_wait3A_597 : memref<1x32x2048xf32, #tpu.memory_space<hbm>> -> memref<32x2048xf32, #tpu.memory_space<hbm>>
    %dma_wait3A_599 = arith.constant 0 : i32
    %dma_wait3A_600 = tpu.memref_slice %arg3[%dma_wait3A_592, %add3A_506, %dma_wait3A_599] : memref<4x8192x2048xf32, #tpu.memory_space<hbm>> -> memref<1x32x2048xf32, #tpu.memory_space<hbm>>
    %dma_wait3A_601 = tpu.memref_squeeze %dma_wait3A_600 : memref<1x32x2048xf32, #tpu.memory_space<hbm>> -> memref<32x2048xf32, #tpu.memory_space<hbm>>
    %dma_wait3A_602 = arith.constant 0 : i32
    %dma_wait3A_603 = arith.constant 0 : i32
    %dma_wait3A_604 = tpu.memref_slice %arg4[%dma_wait3A_602, %dma_wait3A_603] : memref<56x2048xf32, #tpu.memory_space<vmem>> -> memref<32x2048xf32, #tpu.memory_space<vmem>>
    tpu.wait_dma2 semaphore(%arg6 : memref<!tpu.dma_semaphore, #tpu.memory_space<semaphore_mem>>) src(%dma_wait3A_604 : memref<32x2048xf32, #tpu.memory_space<vmem>>) dst(%dma_wait3A_601 : memref<32x2048xf32, #tpu.memory_space<hbm>>)
    %dma_wait3A_605 = arith.constant 2 : i32
    %dma_wait3A_606 = arith.constant 0 : i32
    %dma_wait3A_607 = arith.constant 0 : i32
    %dma_wait3A_608 = tpu.memref_slice %arg4[%dma_wait3A_606, %dma_wait3A_607] : memref<56x2048xf32, #tpu.memory_space<vmem>> -> memref<32x2048xf32, #tpu.memory_space<vmem>>
    %dma_wait3A_609 = arith.constant 0 : i32
    %dma_wait3A_610 = tpu.memref_slice %arg3[%dma_wait3A_605, %add3A_506, %dma_wait3A_609] : memref<4x8192x2048xf32, #tpu.memory_space<hbm>> -> memref<1x32x2048xf32, #tpu.memory_space<hbm>>
    %dma_wait3A_611 = tpu.memref_squeeze %dma_wait3A_610 : memref<1x32x2048xf32, #tpu.memory_space<hbm>> -> memref<32x2048xf32, #tpu.memory_space<hbm>>
    %dma_wait3A_612 = arith.constant 0 : i32
    %dma_wait3A_613 = tpu.memref_slice %arg3[%dma_wait3A_605, %add3A_506, %dma_wait3A_612] : memref<4x8192x2048xf32, #tpu.memory_space<hbm>> -> memref<1x32x2048xf32, #tpu.memory_space<hbm>>
    %dma_wait3A_614 = tpu.memref_squeeze %dma_wait3A_613 : memref<1x32x2048xf32, #tpu.memory_space<hbm>> -> memref<32x2048xf32, #tpu.memory_space<hbm>>
    %dma_wait3A_615 = arith.constant 0 : i32
    %dma_wait3A_616 = arith.constant 0 : i32
    %dma_wait3A_617 = tpu.memref_slice %arg4[%dma_wait3A_615, %dma_wait3A_616] : memref<56x2048xf32, #tpu.memory_space<vmem>> -> memref<32x2048xf32, #tpu.memory_space<vmem>>
    tpu.wait_dma2 semaphore(%arg6 : memref<!tpu.dma_semaphore, #tpu.memory_space<semaphore_mem>>) src(%dma_wait3A_617 : memref<32x2048xf32, #tpu.memory_space<vmem>>) dst(%dma_wait3A_614 : memref<32x2048xf32, #tpu.memory_space<hbm>>)
    %dma_wait3A_618 = arith.constant 3 : i32
    %dma_wait3A_619 = arith.constant 0 : i32
    %dma_wait3A_620 = arith.constant 0 : i32
    %dma_wait3A_621 = tpu.memref_slice %arg4[%dma_wait3A_619, %dma_wait3A_620] : memref<56x2048xf32, #tpu.memory_space<vmem>> -> memref<32x2048xf32, #tpu.memory_space<vmem>>
    %dma_wait3A_622 = arith.constant 0 : i32
    %dma_wait3A_623 = tpu.memref_slice %arg3[%dma_wait3A_618, %add3A_506, %dma_wait3A_622] : memref<4x8192x2048xf32, #tpu.memory_space<hbm>> -> memref<1x32x2048xf32, #tpu.memory_space<hbm>>
    %dma_wait3A_624 = tpu.memref_squeeze %dma_wait3A_623 : memref<1x32x2048xf32, #tpu.memory_space<hbm>> -> memref<32x2048xf32, #tpu.memory_space<hbm>>
    %dma_wait3A_625 = arith.constant 0 : i32
    %dma_wait3A_626 = tpu.memref_slice %arg3[%dma_wait3A_618, %add3A_506, %dma_wait3A_625] : memref<4x8192x2048xf32, #tpu.memory_space<hbm>> -> memref<1x32x2048xf32, #tpu.memory_space<hbm>>
    %dma_wait3A_627 = tpu.memref_squeeze %dma_wait3A_626 : memref<1x32x2048xf32, #tpu.memory_space<hbm>> -> memref<32x2048xf32, #tpu.memory_space<hbm>>
    %dma_wait3A_628 = arith.constant 0 : i32
    %dma_wait3A_629 = arith.constant 0 : i32
    %dma_wait3A_630 = tpu.memref_slice %arg4[%dma_wait3A_628, %dma_wait3A_629] : memref<56x2048xf32, #tpu.memory_space<vmem>> -> memref<32x2048xf32, #tpu.memory_space<vmem>>
    tpu.wait_dma2 semaphore(%arg6 : memref<!tpu.dma_semaphore, #tpu.memory_space<semaphore_mem>>) src(%dma_wait3A_630 : memref<32x2048xf32, #tpu.memory_space<vmem>>) dst(%dma_wait3A_627 : memref<32x2048xf32, #tpu.memory_space<hbm>>)
    return
  }
}

</mosaic_0001>

<sc_bundles>
// kernel: kernel.3.cloned.1.call-start
scs
__scs_entry_jumppad:
0x0: {  	(pc) =	sbr.rel $0x88, $3  }
0x1: {  	(tag) =	ssettag $0x0;
	lr =	simm.s32 $0x1  }
0x2: {  	[smem:$0x3FA0] =	sst lr;
	_ =	strace $0xD0000000  }
0x3: {  	_ = 	snop  }
0x4: {  	_ = 	snop  }
0x5: {  	_ = 	snop  }
0x6: {  	_ = 	snop  }
0x7: {  	_ = 	snop  }
__scs_overlays_trampoline_lowered:
0x8: {  	[smem:$0x3FAF] =	sst s0  }
0x9: {  	[smem:$0x3FB0] =	sst s1  }
0xa: {  	[smem:$0x3FB1] =	sst s2  }
0xb: {  	[smem:$0x3FB2] =	sst s3  }
0xc: {  	[smem:$0x3FB3] =	sst s4  }
0xd: {  	[smem:$0x3FB4] =	sst s5  }
0xe: {  	[smem:$0x3FB5] =	sst s6  }
0xf: {  	[smem:$0x3FB6] =	sst s7  }
0x10: {  	[smem:$0x3FB7] =	sst s8  }
0x11: {  	[smem:$0x3FB8] =	sst s9;
	s0 =	simm.s32 @!p0 $0x0  }
0x12: {  	s1 =	sld [smem:$0x3F9E];
	s0 =	simm.s32 @p0 $0x1  }
0x13: {  	[smem:$0x3FB9] =	sst s0;
	s0 =	simm.s32 @!p1 $0x0  }
0x14: {  	s2 =	sld [smem:$0x3F9D];
	s0 =	simm.s32 @p1 $0x1  }
0x15: {  	[smem:$0x3FBA] =	sst s0;
	s0 =	simm.s32 @!p2 $0x0  }
0x16: {  	s3 =	sld [smem:$0x3FDB];
	s0 =	simm.s32 @p2 $0x1  }
0x17: {  	s4 =	simm.s32 $0x1BF5;
	[smem:$0x3FBC] =	sst s0  }
0x18: {  	s0 =	sld [smem:$0x3F9F];
	_ =	swait.ge [sflag:s4], $0x0  }
0x19: {  	s7 =	sld [smem:$0x3FA0]  }
0x1a: {  	s8 =	sadd.s32 $0xFFFFE003, lr  }
0x1b: {  	s9 =	sadd.s32 $0xFFFFFEF7, lr;
	s5 =	simm.s32 $0xFFFFFFFF;
	p2 =	slt.u32 s8, $0xFFFFF086  }
0x1c: {  	p1 =	slt.u32 s9, $0xF7A;
	s5 =	simm.s32 @!p2 $0x0  }
0x1d: {  	s5 =	simm.s32 @p1 $0x1;
	p0 =	seq.s32 s7, s2  }
0x1e: {  	s7 =	smul.u32 @!p0 $0xF7A, s2;
	p2 =	seq.s32 @!p0 s5, $0x0  }
0x1f: {  	s9 =	smul.u32 $0xF7A, s1;
	s8 =	simm.s32 @!p0 $0x1BF5;
	p2 =	por !p2, p0  }
0x20: {  	[sflag:s8] =	ssyncset.s32 @!p0 $0xFFFFF086;
	s6 =	sadd.s32 @!p0 s3, s7;
	s7 =	simm.s32 @!p0 $0x108  }
0x21: {  	s3 =	sadd.s32 s3, s9;
	s6 =	sadd.s32 @!p0 $0x88, s6;
	s7 =	simm.s32 @p2 $0x1082  }
0x22: {  	[simem:s7], [sflag:s8] =	dma.local @!p0 [hbm:s6], $0xF7A  }
0x23: {  	s9 =	sor.u32 $0xD0000000, s2;
	s6 =	simm.s32 $0x108;
	_ =	swait.ge @!p0 [sflag:s8], $0x0  }
0x24: {  	s3 =	sadd.s32 $0x88, s3;
	s6 =	simm.s32 @!p1 $0x1082;
	[sflag:s4] =	ssyncset.s32 $0xFFFFF086  }
0x25: {  	[simem:s6], [sflag:s4] =	dma.local [hbm:s3], $0xF7A  }
0x26: {  	[smem:$0x3FA0] =	sst s1;
	(tag) =	ssettag s2;
	_ =	strace s9  }
0x27: {  	s1 =	sld [smem:$0x3FB0]  }
0x28: {  	s2 =	sld [smem:$0x3FB1]  }
0x29: {  	s4 =	sld [smem:$0x3FB3]  }
0x2a: {  	p0 =	seq.s32 s5, $0x0;
	s5 =	sld [smem:$0x3FB4]  }
0x2b: {  	s6 =	sld [smem:$0x3FB5]  }
0x2c: {  	s7 =	sld [smem:$0x3FB6]  }
0x2d: {  	s3 =	simm.s32 $0x108;
	s8 =	sld [smem:$0x3FB7]  }
0x2e: {  	s3 =	simm.s32 @!p0 $0x1082;
	s9 =	sld [smem:$0x3FB8]  }
0x2f: {  	lr =	sadd.s32 s0, s3;
	s0 =	sld [smem:$0x3FAF]  }
0x30: {  	s3 =	sld [smem:$0x3FB2]  }
0x31: {  	[smem:$0x3FBB] =	sst s10  }
0x32: {  	s10 =	sld [smem:$0x3FB9];
	_ =	sdelay $0x3  }
0x33: {  	p0 =	seq.s32 s10, $0x1;
	s10 =	sld [smem:$0x3FBB];
	_ =	sdelay $0x3  }
0x34: {  	[smem:$0x3FBB] =	sst s10  }
0x35: {  	s10 =	sld [smem:$0x3FBA];
	_ =	sdelay $0x3  }
0x36: {  	p1 =	seq.s32 s10, $0x1;
	s10 =	sld [smem:$0x3FBB];
	_ =	sdelay $0x3  }
0x37: {  	[smem:$0x3FBB] =	sst s10  }
0x38: {  	s10 =	sld [smem:$0x3FBC]  }
0x39: {  	_ = 	snop;
	(pc) =	sbr.ind lr, $3  }
0x3a: {  	_ = 	snop  }
0x3b: {  	_ = 	snop  }
0x3c: {  	p2 =	seq.s32 s10, $0x1;
	s10 =	sld [smem:$0x3FBB]  }
0x3d: {  	_ =	shalt  }
0x3e: {  	_ =	shalt  }
0x3f: {  	_ =	shalt  }
0x40: {  	_ =	shalt  }
0x41: {  	_ =	shalt  }
0x42: {  	_ =	shalt  }
0x43: {  	_ =	shalt  }
0x44: {  	_ =	shalt  }
0x45: {  	_ =	shalt  }
0x46: {  	_ =	shalt  }
0x47: {  	_ =	shalt  }
0x48: {  	_ =	shalt  }
0x49: {  	_ =	shalt  }
0x4a: {  	_ =	shalt  }
0x4b: {  	_ =	shalt  }
0x4c: {  	_ =	shalt  }
0x4d: {  	_ =	shalt  }
0x4e: {  	_ =	shalt  }
0x4f: {  	_ =	shalt  }
0x50: {  	_ =	shalt  }
0x51: {  	_ =	shalt  }
0x52: {  	_ =	shalt  }
0x53: {  	_ =	shalt  }
0x54: {  	_ =	shalt  }
0x55: {  	_ =	shalt  }
0x56: {  	_ =	shalt  }
0x57: {  	_ =	shalt  }
0x58: {  	_ =	shalt  }
0x59: {  	_ =	shalt  }
0x5a: {  	_ =	shalt  }
0x5b: {  	_ =	shalt  }
0x5c: {  	_ =	shalt  }
0x5d: {  	_ =	shalt  }
0x5e: {  	_ =	shalt  }
0x5f: {  	_ =	shalt  }
0x60: {  	_ =	shalt  }
0x61: {  	_ =	shalt  }
0x62: {  	_ =	shalt  }
0x63: {  	_ =	shalt  }
0x64: {  	_ =	shalt  }
0x65: {  	_ =	shalt  }
0x66: {  	_ =	shalt  }
0x67: {  	_ =	shalt  }
0x68: {  	_ =	shalt  }
0x69: {  	_ =	shalt  }
0x6a: {  	_ =	shalt  }
0x6b: {  	_ =	shalt  }
0x6c: {  	_ =	shalt  }
0x6d: {  	_ =	shalt  }
0x6e: {  	_ =	shalt  }
0x6f: {  	_ =	shalt  }
0x70: {  	_ =	shalt  }
0x71: {  	_ =	shalt  }
0x72: {  	_ =	shalt  }
0x73: {  	_ =	shalt  }
0x74: {  	_ =	shalt  }
0x75: {  	_ =	shalt  }
0x76: {  	_ =	shalt  }
0x77: {  	_ =	shalt  }
0x78: {  	_ =	shalt  }
0x79: {  	_ =	shalt  }
0x7a: {  	_ =	shalt  }
0x7b: {  	_ =	shalt  }
0x7c: {  	_ =	shalt  }
0x7d: {  	_ =	shalt  }
0x7e: {  	_ =	shalt  }
0x7f: {  	_ =	shalt  }
0x80: {  	_ =	shalt  }
0x81: {  	_ =	shalt  }
0x82: {  	_ =	shalt  }
0x83: {  	_ =	shalt  }
0x84: {  	_ =	shalt  }
0x85: {  	_ =	shalt  }
0x86: {  	_ =	shalt  }
0x87: {  	_ =	shalt  }
.Lfunc_end0:
.L_simem_size_0:
called_computation_lowered:
.L_overlay_start_0:
0x88: {  	s2 =	sld [smem:$0x3FD9]  }
0x89: {  	s3 =	sld [smem:$0x3FFE];
	_ =	sdelay $0x1  }
0x8a: {  	s1 =	srdreg.scid  }
0x8b: {  	s0 =	sand.u32 $0x1, s1  }
0x8c: {  	s18 =	sshll.u32 s0, $0xA;
	s2 =	sadd.s32 s3, s2  }
0x8d: {  	s2 =	sadd.s32 s2, s18  }
0x8e: {  	[smem:$0x3FC7] =	sst s2  }
0x8f: {  	_ = 	snop  }
0x90: {  	s2 =	sld [smem:$0x3FC9]  }
0x91: {  	s19 =	sld [smem:$0x3FD0];
	(tm) =	ssettm $0x1  }
0x92: {  	s4 =	sld [smem:$0x3FFB];
	_ =	sdelay $0x3  }
0x93: {  	_ =	strace s4  }
0x94: {  	s4 =	sld [smem:$0x3FFC];
	_ =	sdelay $0x3  }
0x95: {  	_ =	strace s4  }
0x96: {  	s4 =	sld [smem:$0x3FFD];
	_ =	sdelay $0x3  }
0x97: {  	_ =	strace s4  }
0x98: {  	_ =	strace $0x8FFFFFFF  }
0x99: {  	s20 =	sld [smem:$0x3FDB];
	_ =	sdelay $0x1  }
0x9a: {  	s5 =	simm.s32 $_scs_section_size  }
0x9b: {  	s6 =	simm.s32 $_size__tile_overlayer_lowered;
	s7 =	simm.s32 $_tile_overlayer_lowered  }
0x9c: {  	s23 =	simm.s32 $0x1BFF;
	s22 =	sshll.u32 s7, $0x1;
	s4 =	sadd.s32 s5, s20  }
0x9d: {  	s8 =	simm.s32 $0x0;
	s21 =	sshll.u32 s6, $0x1;
	s6 =	sadd.s32 s22, s4  }
0x9e: {  	[timem:s8], [sflag:s23] =	dma.local [hbm:s6], s21  }
0x9f: {  	_ =	swait.ge [sflag:s23], s21  }
0xa0: {  	s5 =	ssub.s32 $0x0, s21;
	[sflag:s23] =	ssyncset.done $0x0  }
0xa1: {  	[sflag:s23] =	ssyncadd.s32 s5;
	_ =	sdelay $0x1  }
0xa2: {  	s24 =	simm.s32 $0x1B8B  }
0xa3: {  	_ =	swait.ge [sflag:s24], $0x1  }
0xa4: {  	[sflag:s24] =	ssyncset.done $0x0  }
0xa5: {  	s25 =	simm.s32 $0x1B8E;
	[sflag:s24] =	ssyncadd.s32 $0xFFFFFFFF  }
0xa6: {  	s26 =	simm.s32 $execute0_lowered;
	[smem:$0x3FD2] =	sst s25  }
0xa7: {  	s5 =	sshll.u32 s26, $0x1;
	_ =	strace $0x80000046;
	[dreg:$0x1] =	wrdreg $0xFFFFFFFF  }
0xa8: {  	s28 =	simm.s32 $_size_execute0_lowered;
	s4 =	sadd.s32 s4, s5;
	[dreg:$0x0] =	wrdreg $0x0  }
0xa9: {  	s5 =	sshll.u32 s28, $0x1;
	[dreg:$0x2] =	wrdreg s4  }
0xaa: {  	[dreg:$0x3] =	wrdreg s5  }
0xab: {  	[dreg:$0x4] =	wrdreg $0xC0  }
0xac: {  	_ =	task [dreg:s8], $0x5FFFF  }
0xad: {  	[dreg:$0x1] =	wrdreg $0xFFFFFFFF  }
0xae: {  	[dreg:$0x0] =	wrdreg $0x60  }
0xaf: {  	[dreg:$0x2] =	wrdreg s2  }
0xb0: {  	[dreg:$0x3] =	wrdreg s19  }
0xb1: {  	[dreg:$0x4] =	wrdreg $0x9  }
0xb2: {  	_ =	task.clear_ibuf [dreg:s8], $0x5FFFF;
	_ =	strace $0x90000046  }
0xb3: {  	s29 =	simm.s32 $0x9;
	_ =	strace $0x80000048  }
0xb4: {  	_ =	swait.ge [sflag:s29], $0x1  }
0xb5: {  	[sflag:s29] =	ssyncadd.s32 $0xFFFFFFFF  }
0xb6: {  	_ =	strace $0x90000048  }
0xb7: {  	_ =	sfence  }
0xb8: {  	s30 =	sld [smem:$0x0];
	_ =	sdelay $0x2  }
0xb9: {  	s31 =	sshll.u32 s1, $0xD;
	s1 =	sshrl.u32 s1, $0x2  }
0xba: {  	s3 =	sand.u32 $0x4000, s31;
	s1 =	sadd.s32 s1, s30  }
0xbb: {  	s0 =	sor.u32 s3, s0;
	s1 =	sshll.u32 s1, $0x11  }
0xbc: {  	s0 =	sor.u32 s1, s0  }
0xbd: {  	s0 =	sadd.s32 $0x8F2B, s0  }
0xbe: {  	[sflag:s0] =	ssyncadd.remote.s32 $0x1  }
0xbf: {  	_ =	sfence.sel $0xFFFF  }
0xc0: {  	[dreg:$0x0] =	wrdreg $0xFFFFFFFF;
	(pc) =	sbr.abs _section_cstart, $3  }
0xc1: {  	[dreg:$0x1] =	wrdreg $0xFFFFFFFF  }
0xc2: {  	_ =	task.clear_ibuf [dreg:s8], $0x2FFFF;
	_ =	strace $0x9FFFFFFF  }
0xc3: {  	(tm) =	ssettm $0x7FFFFFFF  }
tec
execute0_lowered:
.L_overlay_start_1:
0x0: {  	(tag) =	ssettag $0x1  }
0x1: {  	s25 =	rddreg [dreg:$0x0];
	s2 =	srdreg.scid  }
0x2: {  	s26 =	rddreg [dreg:$0x1];
	s1 =	stileid.u32;
	s31 =	sand.u32 $0x1, s2  }
0x3: {  	s2 =	simm.s32 $0x0;
	s3 =	sshll.u32 s1, $0x11;
	s4 =	sshll.u32 s31, $0x10  }
0x4: {  	[smem:$0x7FF] =	sst s2;
	s28 =	sor.u32 s4, s3  }
0x5: {  	_ =	strace $0x80000047;
	s4 =	simm.s32 $0x1;
	s3 =	sadd.s32 s25, s28  }
0x6: {  	[tilespmem:s2], [sflag:$0x1] =	stream.linear.gather [hbm4b:s3+s2], $0x1C000, $0x38;
	[tilespmem:$0x1C000] =	vst v63  }
0x7: {  	_ =	swait.ge [sflag:s4], $0x1C000  }
0x8: {  	[sflag:s4] =	ssyncset.done $0x0  }
0x9: {  	s5 =	sadd.s32 s26, s28;
	[sflag:s4] =	ssyncadd.s32 $0xFFFE4000  }
0xa: {  	[hbm4b:s5+s2] =	stream.linear.scatter [tilespmem:s2], [sflag:$0x2], $0x1C000, $0x38;
	[tilespmem:$0x1C000] =	vst v63  }
0xb: {  	s6 =	sadd.s32 $0x200000, s5  }
0xc: {  	[hbm4b:s6+s2] =	stream.linear.scatter [tilespmem:s2], [sflag:$0x2], $0x1C000, $0x38;
	[tilespmem:$0x1C000] =	vst v63  }
0xd: {  	s7 =	sadd.s32 $0x400000, s5  }
0xe: {  	[hbm4b:s7+s2] =	stream.linear.scatter [tilespmem:s2], [sflag:$0x2], $0x1C000, $0x38;
	[tilespmem:$0x1C000] =	vst v63  }
0xf: {  	s8 =	simm.s32 $0x2;
	s9 =	sadd.s32 $0x600000, s5  }
0x10: {  	[hbm4b:s9+s2] =	stream.linear.scatter [tilespmem:s2], [sflag:$0x2], $0x1C000, $0x38;
	[tilespmem:$0x1C000] =	vst v63  }
0x11: {  	_ =	swait.ge [sflag:s8], $0x1C000  }
0x12: {  	[sflag:s8] =	ssyncset.done $0x0  }
0x13: {  	[sflag:s8] =	ssyncadd.s32 $0xFFFE4000  }
0x14: {  	_ =	swait.ge [sflag:s8], $0x1C000  }
0x15: {  	[sflag:s8] =	ssyncset.done $0x0  }
0x16: {  	[sflag:s8] =	ssyncadd.s32 $0xFFFE4000  }
0x17: {  	_ =	swait.ge [sflag:s8], $0x1C000  }
0x18: {  	[sflag:s8] =	ssyncset.done $0x0  }
0x19: {  	[sflag:s8] =	ssyncadd.s32 $0xFFFE4000  }
0x1a: {  	_ =	swait.ge [sflag:s8], $0x1C000  }
0x1b: {  	s11 =	sor.u32 $0x3800, s28;
	[sflag:s8] =	ssyncset.done $0x0  }
0x1c: {  	s10 =	sadd.s32 s25, s11;
	[sflag:s8] =	ssyncadd.s32 $0xFFFE4000  }
0x1d: {  	[tilespmem:s2], [sflag:$0x1] =	stream.linear.gather [hbm4b:s10+s2], $0x1C000, $0x38;
	[tilespmem:$0x1C000] =	vst v63  }
0x1e: {  	_ =	swait.ge [sflag:s4], $0x1C000  }
0x1f: {  	[sflag:s4] =	ssyncset.done $0x0  }
0x20: {  	s11 =	sadd.s32 s26, s11;
	[sflag:s4] =	ssyncadd.s32 $0xFFFE4000  }
0x21: {  	[hbm4b:s11+s2] =	stream.linear.scatter [tilespmem:s2], [sflag:$0x2], $0x1C000, $0x38;
	[tilespmem:$0x1C000] =	vst v63  }
0x22: {  	s12 =	sadd.s32 $0x203800, s5  }
0x23: {  	[hbm4b:s12+s2] =	stream.linear.scatter [tilespmem:s2], [sflag:$0x2], $0x1C000, $0x38;
	[tilespmem:$0x1C000] =	vst v63  }
0x24: {  	s13 =	sadd.s32 $0x403800, s5  }
0x25: {  	[hbm4b:s13+s2] =	stream.linear.scatter [tilespmem:s2], [sflag:$0x2], $0x1C000, $0x38;
	[tilespmem:$0x1C000] =	vst v63  }
0x26: {  	s14 =	sadd.s32 $0x603800, s5  }
0x27: {  	[hbm4b:s14+s2] =	stream.linear.scatter [tilespmem:s2], [sflag:$0x2], $0x1C000, $0x38;
	[tilespmem:$0x1C000] =	vst v63  }
0x28: {  	_ =	swait.ge [sflag:s8], $0x1C000  }
0x29: {  	[sflag:s8] =	ssyncset.done $0x0  }
0x2a: {  	[sflag:s8] =	ssyncadd.s32 $0xFFFE4000  }
0x2b: {  	_ =	swait.ge [sflag:s8], $0x1C000  }
0x2c: {  	[sflag:s8] =	ssyncset.done $0x0  }
0x2d: {  	[sflag:s8] =	ssyncadd.s32 $0xFFFE4000  }
0x2e: {  	_ =	swait.ge [sflag:s8], $0x1C000  }
0x2f: {  	[sflag:s8] =	ssyncset.done $0x0  }
0x30: {  	[sflag:s8] =	ssyncadd.s32 $0xFFFE4000  }
0x31: {  	_ =	swait.ge [sflag:s8], $0x1C000  }
0x32: {  	s16 =	sor.u32 $0x7000, s28;
	[sflag:s8] =	ssyncset.done $0x0  }
0x33: {  	s15 =	sadd.s32 s25, s16;
	[sflag:s8] =	ssyncadd.s32 $0xFFFE4000  }
0x34: {  	[tilespmem:s2], [sflag:$0x1] =	stream.linear.gather [hbm4b:s15+s2], $0x1C000, $0x38;
	[tilespmem:$0x1C000] =	vst v63  }
0x35: {  	_ =	swait.ge [sflag:s4], $0x1C000  }
0x36: {  	[sflag:s4] =	ssyncset.done $0x0  }
0x37: {  	s16 =	sadd.s32 s26, s16;
	[sflag:s4] =	ssyncadd.s32 $0xFFFE4000  }
0x38: {  	[hbm4b:s16+s2] =	stream.linear.scatter [tilespmem:s2], [sflag:$0x2], $0x1C000, $0x38;
	[tilespmem:$0x1C000] =	vst v63  }
0x39: {  	s17 =	sadd.s32 $0x207000, s5  }
0x3a: {  	[hbm4b:s17+s2] =	stream.linear.scatter [tilespmem:s2], [sflag:$0x2], $0x1C000, $0x38;
	[tilespmem:$0x1C000] =	vst v63  }
0x3b: {  	s18 =	sadd.s32 $0x407000, s5  }
0x3c: {  	[hbm4b:s18+s2] =	stream.linear.scatter [tilespmem:s2], [sflag:$0x2], $0x1C000, $0x38;
	[tilespmem:$0x1C000] =	vst v63  }
0x3d: {  	s19 =	sadd.s32 $0x607000, s5  }
0x3e: {  	[hbm4b:s19+s2] =	stream.linear.scatter [tilespmem:s2], [sflag:$0x2], $0x1C000, $0x38;
	[tilespmem:$0x1C000] =	vst v63  }
0x3f: {  	_ =	swait.ge [sflag:s8], $0x1C000  }
0x40: {  	[sflag:s8] =	ssyncset.done $0x0  }
0x41: {  	[sflag:s8] =	ssyncadd.s32 $0xFFFE4000  }
0x42: {  	_ =	swait.ge [sflag:s8], $0x1C000  }
0x43: {  	[sflag:s8] =	ssyncset.done $0x0  }
0x44: {  	[sflag:s8] =	ssyncadd.s32 $0xFFFE4000  }
0x45: {  	_ =	swait.ge [sflag:s8], $0x1C000  }
0x46: {  	[sflag:s8] =	ssyncset.done $0x0  }
0x47: {  	[sflag:s8] =	ssyncadd.s32 $0xFFFE4000  }
0x48: {  	_ =	swait.ge [sflag:s8], $0x1C000  }
0x49: {  	s21 =	sor.u32 $0xA800, s28;
	[sflag:s8] =	ssyncset.done $0x0  }
0x4a: {  	s20 =	sadd.s32 s25, s21;
	[sflag:s8] =	ssyncadd.s32 $0xFFFE4000  }
0x4b: {  	[tilespmem:s2], [sflag:$0x1] =	stream.linear.gather [hbm4b:s20+s2], $0x1C000, $0x38;
	[tilespmem:$0x1C000] =	vst v63  }
0x4c: {  	_ =	swait.ge [sflag:s4], $0x1C000  }
0x4d: {  	[sflag:s4] =	ssyncset.done $0x0  }
0x4e: {  	s21 =	sadd.s32 s26, s21;
	[sflag:s4] =	ssyncadd.s32 $0xFFFE4000  }
0x4f: {  	[hbm4b:s21+s2] =	stream.linear.scatter [tilespmem:s2], [sflag:$0x2], $0x1C000, $0x38;
	[tilespmem:$0x1C000] =	vst v63  }
0x50: {  	s22 =	sadd.s32 $0x20A800, s5  }
0x51: {  	[hbm4b:s22+s2] =	stream.linear.scatter [tilespmem:s2], [sflag:$0x2], $0x1C000, $0x38;
	[tilespmem:$0x1C000] =	vst v63  }
0x52: {  	s23 =	sadd.s32 $0x40A800, s5  }
0x53: {  	[hbm4b:s23+s2] =	stream.linear.scatter [tilespmem:s2], [sflag:$0x2], $0x1C000, $0x38;
	[tilespmem:$0x1C000] =	vst v63  }
0x54: {  	s24 =	sadd.s32 $0x60A800, s5  }
0x55: {  	[hbm4b:s24+s2] =	stream.linear.scatter [tilespmem:s2], [sflag:$0x2], $0x1C000, $0x38;
	[tilespmem:$0x1C000] =	vst v63  }
0x56: {  	_ =	swait.ge [sflag:s8], $0x1C000  }
0x57: {  	[sflag:s8] =	ssyncset.done $0x0  }
0x58: {  	[sflag:s8] =	ssyncadd.s32 $0xFFFE4000  }
0x59: {  	_ =	swait.ge [sflag:s8], $0x1C000  }
0x5a: {  	[sflag:s8] =	ssyncset.done $0x0  }
0x5b: {  	[sflag:s8] =	ssyncadd.s32 $0xFFFE4000  }
0x5c: {  	_ =	swait.ge [sflag:s8], $0x1C000  }
0x5d: {  	[sflag:s8] =	ssyncset.done $0x0  }
0x5e: {  	[sflag:s8] =	ssyncadd.s32 $0xFFFE4000  }
0x5f: {  	_ =	swait.ge [sflag:s8], $0x1C000  }
0x60: {  	s28 =	sor.u32 $0xE000, s28;
	[sflag:s8] =	ssyncset.done $0x0  }
0x61: {  	s25 =	sadd.s32 s25, s28;
	[sflag:s8] =	ssyncadd.s32 $0xFFFE4000  }
0x62: {  	[tilespmem:s2], [sflag:$0x1] =	stream.linear.gather [hbm4b:s25+s2], $0x10000, $0x38;
	[tilespmem:$0x1C000] =	vst v63  }
0x63: {  	_ =	swait.ge [sflag:s4], $0x10000  }
0x64: {  	[sflag:s4] =	ssyncset.done $0x0  }
0x65: {  	s26 =	sadd.s32 s26, s28;
	[sflag:s4] =	ssyncadd.s32 $0xFFFF0000  }
0x66: {  	[hbm4b:s26+s2] =	stream.linear.scatter [tilespmem:s2], [sflag:$0x2], $0x10000, $0x38;
	[tilespmem:$0x1C000] =	vst v63  }
0x67: {  	s28 =	sadd.s32 $0x20E000, s5  }
0x68: {  	[hbm4b:s28+s2] =	stream.linear.scatter [tilespmem:s2], [sflag:$0x2], $0x10000, $0x38;
	[tilespmem:$0x1C000] =	vst v63  }
0x69: {  	s29 =	sadd.s32 $0x40E000, s5  }
0x6a: {  	[hbm4b:s29+s2] =	stream.linear.scatter [tilespmem:s2], [sflag:$0x2], $0x10000, $0x38;
	[tilespmem:$0x1C000] =	vst v63  }
0x6b: {  	s30 =	sadd.s32 $0x60E000, s5  }
0x6c: {  	[hbm4b:s30+s2] =	stream.linear.scatter [tilespmem:s2], [sflag:$0x2], $0x10000, $0x38;
	[tilespmem:$0x1C000] =	vst v63  }
0x6d: {  	_ =	swait.ge [sflag:s8], $0x10000  }
0x6e: {  	s31 =	ssub.s32 $0x2, s31;
	[sflag:s8] =	ssyncset.done $0x0  }
0x6f: {  	s0 =	sshrl.u32 s31, $0x1;
	[sflag:s8] =	ssyncadd.s32 $0xFFFF0000  }
0x70: {  	s0 =	ssub.s32 s31, s0;
	_ =	swait.ge [sflag:s8], $0x10000  }
0x71: {  	s0 =	smax.u32 s0, $0x1;
	[sflag:s8] =	ssyncset.done $0x0  }
0x72: {  	p0 =	sne.s32 s0, $0x1;
	[sflag:s8] =	ssyncadd.s32 $0xFFFF0000  }
.Ltmp0:
0x73: {  	_ =	swait.ge [sflag:s8], $0x10000;
	(pc) =	sbr.rel @!p0 .LBB2_2-.Ltmp0, $4  }
0x74: {  	[sflag:s8] =	ssyncset.done $0x0  }
0x75: {  	[sflag:s8] =	ssyncadd.s32 $0xFFFF0000  }
0x76: {  	_ =	swait.ge [sflag:s8], $0x10000  }
0x77: {  	s31 =	sadd.s32 $0xFFFFFFFF, s0;
	[sflag:s8] =	ssyncset.done $0x0  }
.LBB2_1:
0x78: {  	p0 =	sne.s32 s31, $0x1;
	s31 =	sadd.s32 $0xFFFFFFFF, s31;
	[sflag:s8] =	ssyncadd.s32 $0xFFFF0000  }
0x79: {  	[tilespmem:s2], [sflag:$0x1] =	stream.linear.gather [hbm4b:s3+s2], $0x1C000, $0x38;
	[tilespmem:$0x1C000] =	vst v63  }
0x7a: {  	_ =	swait.ge [sflag:s4], $0x1C000  }
0x7b: {  	[sflag:s4] =	ssyncset.done $0x0  }
0x7c: {  	[sflag:s4] =	ssyncadd.s32 $0xFFFE4000  }
0x7d: {  	[hbm4b:s5+s2] =	stream.linear.scatter [tilespmem:s2], [sflag:$0x2], $0x1C000, $0x38;
	[tilespmem:$0x1C000] =	vst v63  }
0x7e: {  	_ = 	snop  }
0x7f: {  	[hbm4b:s6+s2] =	stream.linear.scatter [tilespmem:s2], [sflag:$0x2], $0x1C000, $0x38;
	[tilespmem:$0x1C000] =	vst v63  }
0x80: {  	_ = 	snop  }
0x81: {  	[hbm4b:s7+s2] =	stream.linear.scatter [tilespmem:s2], [sflag:$0x2], $0x1C000, $0x38;
	[tilespmem:$0x1C000] =	vst v63  }
0x82: {  	_ = 	snop  }
0x83: {  	[hbm4b:s9+s2] =	stream.linear.scatter [tilespmem:s2], [sflag:$0x2], $0x1C000, $0x38;
	[tilespmem:$0x1C000] =	vst v63  }
0x84: {  	_ =	swait.ge [sflag:s8], $0x1C000  }
0x85: {  	[sflag:s8] =	ssyncset.done $0x0  }
0x86: {  	[sflag:s8] =	ssyncadd.s32 $0xFFFE4000  }
0x87: {  	_ =	swait.ge [sflag:s8], $0x1C000  }
0x88: {  	[sflag:s8] =	ssyncset.done $0x0  }
0x89: {  	[sflag:s8] =	ssyncadd.s32 $0xFFFE4000  }
0x8a: {  	_ =	swait.ge [sflag:s8], $0x1C000  }
0x8b: {  	[sflag:s8] =	ssyncset.done $0x0  }
0x8c: {  	[sflag:s8] =	ssyncadd.s32 $0xFFFE4000  }
0x8d: {  	_ =	swait.ge [sflag:s8], $0x1C000  }
0x8e: {  	[sflag:s8] =	ssyncset.done $0x0  }
0x8f: {  	[sflag:s8] =	ssyncadd.s32 $0xFFFE4000  }
0x90: {  	[tilespmem:s2], [sflag:$0x1] =	stream.linear.gather [hbm4b:s10+s2], $0x1C000, $0x38;
	[tilespmem:$0x1C000] =	vst v63  }
0x91: {  	_ =	swait.ge [sflag:s4], $0x1C000  }
0x92: {  	[sflag:s4] =	ssyncset.done $0x0  }
0x93: {  	[sflag:s4] =	ssyncadd.s32 $0xFFFE4000  }
0x94: {  	[hbm4b:s11+s2] =	stream.linear.scatter [tilespmem:s2], [sflag:$0x2], $0x1C000, $0x38;
	[tilespmem:$0x1C000] =	vst v63  }
0x95: {  	_ = 	snop  }
0x96: {  	[hbm4b:s12+s2] =	stream.linear.scatter [tilespmem:s2], [sflag:$0x2], $0x1C000, $0x38;
	[tilespmem:$0x1C000] =	vst v63  }
0x97: {  	_ = 	snop  }
0x98: {  	[hbm4b:s13+s2] =	stream.linear.scatter [tilespmem:s2], [sflag:$0x2], $0x1C000, $0x38;
	[tilespmem:$0x1C000] =	vst v63  }
0x99: {  	_ = 	snop  }
0x9a: {  	[hbm4b:s14+s2] =	stream.linear.scatter [tilespmem:s2], [sflag:$0x2], $0x1C000, $0x38;
	[tilespmem:$0x1C000] =	vst v63  }
0x9b: {  	_ =	swait.ge [sflag:s8], $0x1C000  }
0x9c: {  	[sflag:s8] =	ssyncset.done $0x0  }
0x9d: {  	[sflag:s8] =	ssyncadd.s32 $0xFFFE4000  }
0x9e: {  	_ =	swait.ge [sflag:s8], $0x1C000  }
0x9f: {  	[sflag:s8] =	ssyncset.done $0x0  }
0xa0: {  	[sflag:s8] =	ssyncadd.s32 $0xFFFE4000  }
0xa1: {  	_ =	swait.ge [sflag:s8], $0x1C000  }
0xa2: {  	[sflag:s8] =	ssyncset.done $0x0  }
0xa3: {  	[sflag:s8] =	ssyncadd.s32 $0xFFFE4000  }
0xa4: {  	_ =	swait.ge [sflag:s8], $0x1C000  }
0xa5: {  	[sflag:s8] =	ssyncset.done $0x0  }
0xa6: {  	[sflag:s8] =	ssyncadd.s32 $0xFFFE4000  }
0xa7: {  	[tilespmem:s2], [sflag:$0x1] =	stream.linear.gather [hbm4b:s15+s2], $0x1C000, $0x38;
	[tilespmem:$0x1C000] =	vst v63  }
0xa8: {  	_ =	swait.ge [sflag:s4], $0x1C000  }
0xa9: {  	[sflag:s4] =	ssyncset.done $0x0  }
0xaa: {  	[sflag:s4] =	ssyncadd.s32 $0xFFFE4000  }
0xab: {  	[hbm4b:s16+s2] =	stream.linear.scatter [tilespmem:s2], [sflag:$0x2], $0x1C000, $0x38;
	[tilespmem:$0x1C000] =	vst v63  }
0xac: {  	_ = 	snop  }
0xad: {  	[hbm4b:s17+s2] =	stream.linear.scatter [tilespmem:s2], [sflag:$0x2], $0x1C000, $0x38;
	[tilespmem:$0x1C000] =	vst v63  }
0xae: {  	_ = 	snop  }
0xaf: {  	[hbm4b:s18+s2] =	stream.linear.scatter [tilespmem:s2], [sflag:$0x2], $0x1C000, $0x38;
	[tilespmem:$0x1C000] =	vst v63  }
0xb0: {  	_ = 	snop  }
0xb1: {  	[hbm4b:s19+s2] =	stream.linear.scatter [tilespmem:s2], [sflag:$0x2], $0x1C000, $0x38;
	[tilespmem:$0x1C000] =	vst v63  }
0xb2: {  	_ =	swait.ge [sflag:s8], $0x1C000  }
0xb3: {  	[sflag:s8] =	ssyncset.done $0x0  }
0xb4: {  	[sflag:s8] =	ssyncadd.s32 $0xFFFE4000  }
0xb5: {  	_ =	swait.ge [sflag:s8], $0x1C000  }
0xb6: {  	[sflag:s8] =	ssyncset.done $0x0  }
0xb7: {  	[sflag:s8] =	ssyncadd.s32 $0xFFFE4000  }
0xb8: {  	_ =	swait.ge [sflag:s8], $0x1C000  }
0xb9: {  	[sflag:s8] =	ssyncset.done $0x0  }
0xba: {  	[sflag:s8] =	ssyncadd.s32 $0xFFFE4000  }
0xbb: {  	_ =	swait.ge [sflag:s8], $0x1C000  }
0xbc: {  	[sflag:s8] =	ssyncset.done $0x0  }
0xbd: {  	[sflag:s8] =	ssyncadd.s32 $0xFFFE4000  }
0xbe: {  	[tilespmem:s2], [sflag:$0x1] =	stream.linear.gather [hbm4b:s20+s2], $0x1C000, $0x38;
	[tilespmem:$0x1C000] =	vst v63  }
0xbf: {  	_ =	swait.ge [sflag:s4], $0x1C000  }
0xc0: {  	[sflag:s4] =	ssyncset.done $0x0  }
0xc1: {  	[sflag:s4] =	ssyncadd.s32 $0xFFFE4000  }
0xc2: {  	[hbm4b:s21+s2] =	stream.linear.scatter [tilespmem:s2], [sflag:$0x2], $0x1C000, $0x38;
	[tilespmem:$0x1C000] =	vst v63  }
0xc3: {  	_ = 	snop  }
0xc4: {  	[hbm4b:s22+s2] =	stream.linear.scatter [tilespmem:s2], [sflag:$0x2], $0x1C000, $0x38;
	[tilespmem:$0x1C000] =	vst v63  }
0xc5: {  	_ = 	snop  }
0xc6: {  	[hbm4b:s23+s2] =	stream.linear.scatter [tilespmem:s2], [sflag:$0x2], $0x1C000, $0x38;
	[tilespmem:$0x1C000] =	vst v63  }
0xc7: {  	_ = 	snop  }
0xc8: {  	[hbm4b:s24+s2] =	stream.linear.scatter [tilespmem:s2], [sflag:$0x2], $0x1C000, $0x38;
	[tilespmem:$0x1C000] =	vst v63  }
0xc9: {  	_ =	swait.ge [sflag:s8], $0x1C000  }
0xca: {  	[sflag:s8] =	ssyncset.done $0x0  }
0xcb: {  	[sflag:s8] =	ssyncadd.s32 $0xFFFE4000  }
0xcc: {  	_ =	swait.ge [sflag:s8], $0x1C000  }
0xcd: {  	[sflag:s8] =	ssyncset.done $0x0  }
0xce: {  	[sflag:s8] =	ssyncadd.s32 $0xFFFE4000  }
0xcf: {  	_ =	swait.ge [sflag:s8], $0x1C000  }
0xd0: {  	[sflag:s8] =	ssyncset.done $0x0  }
0xd1: {  	[sflag:s8] =	ssyncadd.s32 $0xFFFE4000  }
0xd2: {  	_ =	swait.ge [sflag:s8], $0x1C000  }
0xd3: {  	[sflag:s8] =	ssyncset.done $0x0  }
0xd4: {  	[sflag:s8] =	ssyncadd.s32 $0xFFFE4000  }
0xd5: {  	[tilespmem:s2], [sflag:$0x1] =	stream.linear.gather [hbm4b:s25+s2], $0x10000, $0x38;
	[tilespmem:$0x1C000] =	vst v63  }
0xd6: {  	_ =	swait.ge [sflag:s4], $0x10000  }
0xd7: {  	[sflag:s4] =	ssyncset.done $0x0  }
0xd8: {  	[sflag:s4] =	ssyncadd.s32 $0xFFFF0000  }
0xd9: {  	[hbm4b:s26+s2] =	stream.linear.scatter [tilespmem:s2], [sflag:$0x2], $0x10000, $0x38;
	[tilespmem:$0x1C000] =	vst v63  }
0xda: {  	_ = 	snop  }
0xdb: {  	[hbm4b:s28+s2] =	stream.linear.scatter [tilespmem:s2], [sflag:$0x2], $0x10000, $0x38;
	[tilespmem:$0x1C000] =	vst v63  }
0xdc: {  	_ = 	snop  }
0xdd: {  	[hbm4b:s29+s2] =	stream.linear.scatter [tilespmem:s2], [sflag:$0x2], $0x10000, $0x38;
	[tilespmem:$0x1C000] =	vst v63  }
0xde: {  	_ = 	snop  }
0xdf: {  	[hbm4b:s30+s2] =	stream.linear.scatter [tilespmem:s2], [sflag:$0x2], $0x10000, $0x38;
	[tilespmem:$0x1C000] =	vst v63  }
0xe0: {  	_ =	swait.ge [sflag:s8], $0x10000  }
0xe1: {  	[sflag:s8] =	ssyncset.done $0x0  }
0xe2: {  	[sflag:s8] =	ssyncadd.s32 $0xFFFF0000  }
0xe3: {  	_ =	swait.ge [sflag:s8], $0x10000  }
0xe4: {  	[sflag:s8] =	ssyncset.done $0x0  }
0xe5: {  	[sflag:s8] =	ssyncadd.s32 $0xFFFF0000  }
.Ltmp1:
0xe6: {  	_ =	swait.ge [sflag:s8], $0x10000;
	(pc) =	sbr.rel @p0 .LBB2_1-.Ltmp1, $4  }
0xe7: {  	[sflag:s8] =	ssyncset.done $0x0  }
0xe8: {  	[sflag:s8] =	ssyncadd.s32 $0xFFFF0000  }
0xe9: {  	_ =	swait.ge [sflag:s8], $0x10000  }
0xea: {  	[sflag:s8] =	ssyncset.done $0x0  }
.LBB2_2:
0xeb: {  	[sflag:s8] =	ssyncadd.s32 $0xFFFF0000  }
0xec: {  	_ =	sfence.sel $0x180000  }
0xed: {  	[bflag:$0x0] =	sbarrier.arrive $0xFFFF  }
0xee: {  	_ =	strace $0x90000047  }
0xef: {  	[bflag:$0x2] =	sbarrier.arrive $0xFFFF  }
0xf0: {  	p0 =	sne.s32 s1, $0x0;
	s0 =	rddreg [dreg:$0x2]  }
0xf1: {  	s0 =	sadd.s32 @!p0 $0x100000, s0  }
0xf2: {  	[sflag:s0] =	ssyncadd.tile.s32 @!p0 $0x1;
	_ =	shalt  }
.Lfunc_end2:
_tile_overlayer_lowered:
.L_overlay_start_2:
0xf3: {  	(tag) =	ssettag $0x2  }
0xf4: {  	s0 =	rddreg [dreg:$0x0];
	s2 =	stileid.u32  }
0xf5: {  	s1 =	rddreg [dreg:$0x1];
	p0 =	sne.s32 s2, $0x0  }
0xf6: {  	s3 =	rddreg [dreg:$0x2];
	[bflag:$0x3] =	sbarrier.arrive $0xFFFF;
	s2 =	simm.s32 @!p0 $0x1C03  }
0xf7: {  	[timem:s3], [sflag:s2] =	dma.local @!p0 [hbm:s0], s1  }
0xf8: {  	s0 =	simm.s32 @!p0 $0x3  }
0xf9: {  	_ =	swait.ge @!p0 [sflag:s0], s1  }
0xfa: {  	s1 =	ssub.s32 @!p0 $0x0, s1;
	[sflag:s0] =	ssyncset.done @!p0 $0x0  }
0xfb: {  	[sflag:s0] =	ssyncadd.s32 @!p0 s1  }
0xfc: {  	[bflag:$0x3] =	sbarrier.arrive $0xFFFF  }
0xfd: {  	_ =	shalt  }

</sc_bundles>
